<compile_context>
chip_gen: v7x
topology: tpu7x:2x2x1
jax: 0.10.2.dev20260603
libtpu: 0.0.44.dev20260713+nightly
codegen_flags: <defaults>
</compile_context>

<pallas_src>
import functools

import jax
import jax.numpy as jnp
from jax import lax
from jax.experimental import pallas as pl
from jax.experimental.pallas import tpu as pltpu
from jax.experimental.pallas import tpu_sc as plsc

M = 32
B = 16384
N_CTS = 4
N_CAT = 26
LEVELS = 100000
N_FIELDS = N_CTS + N_CAT

NC = 2
NS = 16
NW = NC * NS

PAIRS = N_FIELDS * M
PPW = PAIRS // NW
BCH = 4096
NBCH = B // BCH


def _sc_body(table_t, idx_t, i0_t, t_t, emb_t, out, row_v, idx_v, col_a,
             col_b, t_v, ec_v, sem_w):
    wid = lax.axis_index("s") * NC + lax.axis_index("c")
    cols = [col_a, col_b]

    def write_chunks(f, d, gather_chunk):
        handles = [None, None]
        for c in range(NBCH):
            col = cols[c % 2]
            if handles[c % 2] is not None:
                handles[c % 2].wait()
            gather_chunk(c, col)
            handles[c % 2] = pltpu.async_copy(
                col, out.at[f, d, pl.ds(c * BCH, BCH)], sem_w)
        for h in handles:
            if h is not None:
                h.wait()

    def pair(p, jprev):
        gp = wid * PPW + p
        f = gp // M
        d = gp % M

        @pl.when(f >= N_CTS)
        def _cat():
            j = f - N_CTS

            @pl.when(j != jprev)
            def _stage_idx():
                pltpu.sync_copy(idx_t.at[j], idx_v)

            pltpu.sync_copy(table_t.at[j, d], row_v)

            def gather_chunk(c, col):
                def vec(k, carry3):
                    g = plsc.load_gather(
                        row_v, [idx_v[pl.ds(c * BCH + k * 16, 16)]])
                    col[pl.ds(k * 16, 16)] = g
                    return carry3

                lax.fori_loop(0, BCH // 16, vec, 0, unroll=8)

            write_chunks(f, d, gather_chunk)

        @pl.when(f < N_CTS)
        def _cts():
            pltpu.sync_copy(emb_t.at[f, d], ec_v)
            pltpu.sync_copy(i0_t.at[f], idx_v)

            def gather_chunk(c, col):
                pltpu.sync_copy(t_t.at[f, pl.ds(c * BCH, BCH)], t_v)

                def vec(k, carry3):
                    i016 = idx_v[pl.ds(c * BCH + k * 16, 16)]
                    t16 = t_v[pl.ds(k * 16, 16)]
                    e0 = plsc.load_gather(ec_v, [i016])
                    e1 = plsc.load_gather(ec_v, [i016 + 1])
                    col[pl.ds(k * 16, 16)] = e0 + t16 * (e1 - e0)
                    return carry3

                lax.fori_loop(0, BCH // 16, vec, 0, unroll=8)

            write_chunks(f, d, gather_chunk)

        return jnp.where(f >= N_CTS, f - N_CTS, -1)

    lax.fori_loop(0, PPW, pair, -1)


@functools.partial(
    pl.kernel,
    out_type=jax.ShapeDtypeStruct((N_FIELDS, M, B), jnp.float32),
    mesh=plsc.VectorSubcoreMesh(core_axis_name="c", subcore_axis_name="s"),
    compiler_params=pltpu.CompilerParams(
        use_tc_tiling_on_sc=True, needs_layout_passes=False),
    scratch_types=[
        pltpu.VMEM((LEVELS,), jnp.float32),
        pltpu.VMEM((B,), jnp.int32),
        pltpu.VMEM((BCH,), jnp.float32),
        pltpu.VMEM((BCH,), jnp.float32),
        pltpu.VMEM((BCH,), jnp.float32),
        pltpu.VMEM((M,), jnp.float32),
        pltpu.SemaphoreType.DMA,
    ],
)
def _sc_cols(table_t, idx_t, i0_t, t_t, emb_t, out, row_v, idx_v, col_a,
             col_b, t_v, ec_v, sem_w):
    _sc_body(table_t, idx_t, i0_t, t_t, emb_t, out, row_v, idx_v, col_a,
             col_b, t_v, ec_v, sem_w)


BC = 16384


def _prep_body(xf_ref, lm_ref, i0_ref, t_ref):
    xv = xf_ref[0, 0, :]
    lm = lm_ref[0, 0]
    indx = jnp.sum((lm[None, :] < xv[:, None]).astype(jnp.int32), axis=1)
    indx = jnp.clip(indx, 1, M - 1)
    cols = lax.broadcasted_iota(jnp.int32, (B, M), 1)
    oh1 = (cols == indx[:, None]).astype(jnp.float32)
    oh0 = (cols == indx[:, None] - 1).astype(jnp.float32)
    lm1 = jnp.sum(oh1 * lm[None, :], axis=1)
    lm0 = jnp.sum(oh0 * lm[None, :], axis=1)
    i0_ref[0, 0, :] = indx - 1
    t_ref[0, 0, :] = (xv - lm0) / (lm1 - lm0)


_prep_call = pl.pallas_call(
    _prep_body,
    grid=(N_CTS,),
    in_specs=[
        pl.BlockSpec((1, 1, B), lambda i: (i, 0, 0)),
        pl.BlockSpec((1, 1, M), lambda i: (i, 0, 0)),
    ],
    out_specs=[
        pl.BlockSpec((1, 1, B), lambda i: (i, 0, 0)),
        pl.BlockSpec((1, 1, B), lambda i: (i, 0, 0)),
    ],
    out_shape=[
        jax.ShapeDtypeStruct((N_CTS, 1, B), jnp.int32),
        jax.ShapeDtypeStruct((N_CTS, 1, B), jnp.float32),
    ],
)


def kernel(x, landmarks, cts_emb_landmarks, cat_tables):
    xft3 = x[:, :N_CTS].astype(jnp.float32).T.reshape(N_CTS, 1, B)
    lm3 = landmarks.reshape(N_CTS, 1, M)
    i03, t3 = _prep_call(xft3, lm3)

    table_t = cat_tables.transpose(0, 2, 1)
    emb_t = cts_emb_landmarks.transpose(0, 2, 1)
    idx_t = x[:, N_CTS:].T

    out_t = _sc_cols(table_t, idx_t, i03.reshape(N_CTS, B),
                     t3.reshape(N_CTS, B), emb_t)
    return out_t.transpose(2, 0, 1)

# --- scband reference (transcript-rebuilt; emitter-appended) ---
"""Pipeline reference for scband-embedding-71777493451248 (READ-ONLY COPY).

The authoritative reference and input builder live on the scoring server;
editing this copy changes nothing except your own understanding.
"""

import jax, jax.numpy as jnp
import numpy as np

M = 32
B = 16384
N_CTS = 4
N_CAT = 26
LEVELS = 100000


def setup_inputs(seed: int = 0):
    key = jax.random.key(seed)
    kx, kidx = jax.random.split(key)
    # mixed covariate matrix: first 4 columns treated as continuous values,
    # last 26 columns are categorical level indices in [0, LEVELS)
    x = jax.random.randint(kx, (B, N_CTS + N_CAT), 0, LEVELS, dtype=jnp.int32)
    # percentile landmarks per continuous var: linspace(0, 99200, 32)
    landmarks = jnp.tile((jnp.arange(M, dtype=jnp.float32) * 3200.0)[None, :], (N_CTS, 1))
    # x_emb_landmarks params init to identity, as in landmarks_init
    cts_emb_landmarks = jnp.tile(jnp.eye(M, dtype=jnp.float32)[None, :, :], (N_CTS, 1, 1))
    # x_emb_levels params: one-hot rows with random hot column, as in level_init
    level_idx = jax.random.randint(kidx, (N_CAT, LEVELS), 0, M, dtype=jnp.int32)
    cat_tables = jax.nn.one_hot(level_idx, M, dtype=jnp.float32)
    return {"x": x, "landmarks": landmarks, "cts_emb_landmarks": cts_emb_landmarks, "cat_tables": cat_tables}


def reference(x, landmarks, cts_emb_landmarks, cat_tables):
    xf = x.astype(jnp.float32)
    res = []
    # continuous vars: piecewise-linear interpolation over landmark embeddings
    for i in range(N_CTS):
        xv = xf[:, i]
        lm = landmarks[i]
        emb = cts_emb_landmarks[i]
        indx = jnp.searchsorted(lm, xv)
        indx = jnp.where(indx == 0, 1, indx)
        indx = jnp.where(indx == M, M - 1, indx)
        coef = (emb[indx] - emb[indx - 1]) / (lm[indx] - lm[indx - 1])[:, None]
        out = emb[indx - 1] + coef * (xv - lm[indx - 1])[:, None]
        res.append(out[:, None, :])
    # categorical vars: plain embedding table gather
    for j in range(N_CAT):
        idx = x[:, N_CTS + j]
        res.append(jnp.take(cat_tables[j], idx, axis=0)[:, None, :])
    x_emb = jnp.concatenate(res, axis=1)  # [B, 30, 32]; dropout p=0.0 is identity
    return x_emb

if __name__ == "__main__":
    import jax
    _d = setup_inputs()
    print(jax.jit(kernel)(*tuple(_d.values())))

</pallas_src>

<mosaic_0001>
#map = affine_map<(d0, d1) -> (0, 0, 0)>
#map1 = affine_map<(d0, d1) -> (0, 0)>
module attributes {stable_mosaic.version = 14 : i64} {
  func.func @_sc_cols(%arg0: i32, %arg1: i32, %arg2: memref<26x32x100000xf32, #tpu.memory_space<hbm>>, %arg3: memref<26x16384xi32, #tpu.memory_space<hbm>>, %arg4: memref<4x16384xi32, #tpu.memory_space<hbm>>, %arg5: memref<4x16384xf32, #tpu.memory_space<hbm>>, %arg6: memref<4x32x32xf32, #tpu.memory_space<hbm>>, %arg7: memref<30x32x16384xf32, #tpu.memory_space<hbm>>, %arg8: memref<100000xf32, #tpu.memory_space<vmem>>, %arg9: memref<16384xi32, #tpu.memory_space<vmem>>, %arg10: memref<4096xf32, #tpu.memory_space<vmem>>, %arg11: memref<4096xf32, #tpu.memory_space<vmem>>, %arg12: memref<4096xf32, #tpu.memory_space<vmem>>, %arg13: memref<32xf32, #tpu.memory_space<vmem>>, %arg14: memref<!tpu.dma_semaphore, #tpu.memory_space<semaphore_mem>>) attributes {dimension_semantics = [#tpu.dimension_semantics<core_parallel>, #tpu.dimension_semantics<subcore_parallel>], iteration_bounds = array<i64: 2, 16>, scalar_prefetch = 0 : i64, scratch_operands = 7 : i64, tpu.core_type = #tpu.core_type<sc_vector_subcore>, window_params = [{transform_indices = #map}, {transform_indices = #map1}, {transform_indices = #map1}, {transform_indices = #map1}, {transform_indices = #map}, {transform_indices = #map}]} {
    %mul3A = arith.constant 2 : i32
    %mul3A_0 = arith.muli %arg1, %mul3A : i32
    %add3A = arith.addi %mul3A_0, %arg0 : i32
    %scan3A = arith.constant -1 : i32
    %scan3A_1 = arith.constant 0 : i32
    %scan3A_2 = arith.constant 30 : i32
    %scan3A_3 = arith.addi %scan3A_1, %scan3A_2 : i32
    %scan3A_4 = arith.constant 1 : i32
    %scan3A_5 = scf.for %scan3A_7 = %scan3A_1 to %scan3A_3 step %scan3A_4 iter_args(%scan3A_8 = %scan3A) -> (i32)  : i32 {
      %mul3A_9 = arith.constant 30 : i32
      %mul3A_10 = arith.muli %add3A, %mul3A_9 : i32
      %add3A_11 = arith.addi %mul3A_10, %scan3A_7 : i32
      %jit3A = arith.constant 32 : i32
      %div3A = arith.divsi %add3A_11, %jit3A : i32
      %sign3A = arith.constant 0 : i32
      %sign3A_12 = arith.cmpi sgt, %add3A_11, %sign3A : i32
      %sign3A_13 = arith.extui %sign3A_12 : i1 to i32
      %sign3A_14 = arith.constant 0 : i32
      %sign3A_15 = arith.cmpi slt, %add3A_11, %sign3A_14 : i32
      %sign3A_16 = arith.extui %sign3A_15 : i1 to i32
      %sign3A_17 = arith.subi %sign3A_13, %sign3A_16 : i32
      %sign3A_18 = arith.constant 0 : i32
      %sign3A_19 = arith.cmpi sgt, %jit3A, %sign3A_18 : i32
      %sign3A_20 = arith.extui %sign3A_19 : i1 to i32
      %sign3A_21 = arith.constant 0 : i32
      %sign3A_22 = arith.cmpi slt, %jit3A, %sign3A_21 : i32
      %sign3A_23 = arith.extui %sign3A_22 : i1 to i32
      %sign3A_24 = arith.subi %sign3A_20, %sign3A_23 : i32
      %ne3A = arith.cmpi ne, %sign3A_17, %sign3A_24 : i32
      %rem3A = arith.remsi %add3A_11, %jit3A : i32
      %ne3A_25 = arith.constant 0 : i32
      %ne3A_26 = arith.cmpi ne, %rem3A, %ne3A_25 : i32
      %and3A = arith.andi %ne3A, %ne3A_26 : i1
      %sub3A = arith.constant 1 : i32
      %sub3A_27 = arith.subi %div3A, %sub3A : i32
      %select_n3A = arith.select %and3A, %sub3A_27, %div3A : i32
      %jit3A_28 = arith.constant 32 : i32
      %eq3A = arith.constant 0 : i32
      %eq3A_29 = arith.cmpi eq, %jit3A_28, %eq3A : i32
      %jit3A_30 = arith.constant 1 : i32
      %select_n3A_31 = arith.select %eq3A_29, %jit3A_30, %jit3A_28 : i32
      %rem3A_32 = arith.remsi %add3A_11, %select_n3A_31 : i32
      %ne3A_33 = arith.constant 0 : i32
      %ne3A_34 = arith.cmpi ne, %rem3A_32, %ne3A_33 : i32
      %lt3A = arith.constant 0 : i32
      %lt3A_35 = arith.cmpi slt, %rem3A_32, %lt3A : i32
      %lt3A_36 = arith.constant 0 : i32
      %lt3A_37 = arith.cmpi slt, %select_n3A_31, %lt3A_36 : i32
      %ne3A_38 = arith.xori %lt3A_35, %lt3A_37 : i1
      %and3A_39 = arith.andi %ne3A_38, %ne3A_34 : i1
      %add3A_40 = arith.addi %rem3A_32, %select_n3A_31 : i32
      %select_n3A_41 = arith.select %and3A_39, %add3A_40, %rem3A_32 : i32
      %ge3A = arith.constant 4 : i32
      %ge3A_42 = arith.cmpi sge, %select_n3A, %ge3A : i32
      %convert_element_type3A = arith.extui %ge3A_42 : i1 to i32
      %cond3A = arith.constant 0 : i32
      %cond3A_43 = arith.cmpi ne, %convert_element_type3A, %cond3A : i32
      scf.if %cond3A_43 {
        %sub3A_55 = arith.constant 4 : i32
        %sub3A_56 = arith.subi %select_n3A, %sub3A_55 : i32
        %ne3A_57 = arith.cmpi ne, %sub3A_56, %scan3A_8 : i32
        %convert_element_type3A_58 = arith.extui %ne3A_57 : i1 to i32
        %cond3A_59 = arith.constant 0 : i32
        %cond3A_60 = arith.cmpi ne, %convert_element_type3A_58, %cond3A_59 : i32
        scf.if %cond3A_60 {
          "tpu.region"() ({
            %run_scoped3A = tpu.sem_alloc : memref<!tpu.dma_semaphore, #tpu.memory_space<semaphore_mem>>
            %dma_start3A_131 = arith.constant 0 : i32
            %dma_start3A_132 = tpu.memref_slice %arg3[%sub3A_56, %dma_start3A_131] : memref<26x16384xi32, #tpu.memory_space<hbm>> -> memref<1x16384xi32, #tpu.memory_space<hbm>>
            %dma_start3A_133 = tpu.memref_squeeze %dma_start3A_132 : memref<1x16384xi32, #tpu.memory_space<hbm>> -> memref<16384xi32, #tpu.memory_space<hbm>>
            %dma_start3A_134 = arith.constant 0 : i32
            %dma_start3A_135 = tpu.memref_slice %arg3[%sub3A_56, %dma_start3A_134] : memref<26x16384xi32, #tpu.memory_space<hbm>> -> memref<1x16384xi32, #tpu.memory_space<hbm>>
            %dma_start3A_136 = tpu.memref_squeeze %dma_start3A_135 : memref<1x16384xi32, #tpu.memory_space<hbm>> -> memref<16384xi32, #tpu.memory_space<hbm>>
            tpu.enqueue_dma source(%dma_start3A_136 : memref<16384xi32, #tpu.memory_space<hbm>>) target(%arg9 : memref<16384xi32, #tpu.memory_space<vmem>>) target_semaphore(%run_scoped3A : memref<!tpu.dma_semaphore, #tpu.memory_space<semaphore_mem>>)
            %dma_wait3A_137 = arith.constant 0 : i32
            %dma_wait3A_138 = tpu.memref_slice %arg3[%sub3A_56, %dma_wait3A_137] : memref<26x16384xi32, #tpu.memory_space<hbm>> -> memref<1x16384xi32, #tpu.memory_space<hbm>>
            %dma_wait3A_139 = tpu.memref_squeeze %dma_wait3A_138 : memref<1x16384xi32, #tpu.memory_space<hbm>> -> memref<16384xi32, #tpu.memory_space<hbm>>
            %dma_wait3A_140 = arith.constant 0 : i32
            %dma_wait3A_141 = tpu.memref_slice %arg3[%sub3A_56, %dma_wait3A_140] : memref<26x16384xi32, #tpu.memory_space<hbm>> -> memref<1x16384xi32, #tpu.memory_space<hbm>>
            %dma_wait3A_142 = tpu.memref_squeeze %dma_wait3A_141 : memref<1x16384xi32, #tpu.memory_space<hbm>> -> memref<16384xi32, #tpu.memory_space<hbm>>
            tpu.wait_dma2 semaphore(%run_scoped3A : memref<!tpu.dma_semaphore, #tpu.memory_space<semaphore_mem>>) src(%dma_wait3A_142 : memref<16384xi32, #tpu.memory_space<hbm>>) dst(%arg9 : memref<16384xi32, #tpu.memory_space<vmem>>)
            tpu.yield
          }) : () -> ()
        } else {
        }
        "tpu.region"() ({
          %run_scoped3A = tpu.sem_alloc : memref<!tpu.dma_semaphore, #tpu.memory_space<semaphore_mem>>
          %dma_start3A_131 = arith.constant 0 : i32
          %dma_start3A_132 = tpu.memref_slice %arg2[%sub3A_56, %select_n3A_41, %dma_start3A_131] : memref<26x32x100000xf32, #tpu.memory_space<hbm>> -> memref<1x1x100000xf32, #tpu.memory_space<hbm>>
          %dma_start3A_133 = tpu.memref_squeeze %dma_start3A_132 : memref<1x1x100000xf32, #tpu.memory_space<hbm>> -> memref<100000xf32, #tpu.memory_space<hbm>>
          %dma_start3A_134 = arith.constant 0 : i32
          %dma_start3A_135 = tpu.memref_slice %arg2[%sub3A_56, %select_n3A_41, %dma_start3A_134] : memref<26x32x100000xf32, #tpu.memory_space<hbm>> -> memref<1x1x100000xf32, #tpu.memory_space<hbm>>
          %dma_start3A_136 = tpu.memref_squeeze %dma_start3A_135 : memref<1x1x100000xf32, #tpu.memory_space<hbm>> -> memref<100000xf32, #tpu.memory_space<hbm>>
          tpu.enqueue_dma source(%dma_start3A_136 : memref<100000xf32, #tpu.memory_space<hbm>>) target(%arg8 : memref<100000xf32, #tpu.memory_space<vmem>>) target_semaphore(%run_scoped3A : memref<!tpu.dma_semaphore, #tpu.memory_space<semaphore_mem>>)
          %dma_wait3A_137 = arith.constant 0 : i32
          %dma_wait3A_138 = tpu.memref_slice %arg2[%sub3A_56, %select_n3A_41, %dma_wait3A_137] : memref<26x32x100000xf32, #tpu.memory_space<hbm>> -> memref<1x1x100000xf32, #tpu.memory_space<hbm>>
          %dma_wait3A_139 = tpu.memref_squeeze %dma_wait3A_138 : memref<1x1x100000xf32, #tpu.memory_space<hbm>> -> memref<100000xf32, #tpu.memory_space<hbm>>
          %dma_wait3A_140 = arith.constant 0 : i32
          %dma_wait3A_141 = tpu.memref_slice %arg2[%sub3A_56, %select_n3A_41, %dma_wait3A_140] : memref<26x32x100000xf32, #tpu.memory_space<hbm>> -> memref<1x1x100000xf32, #tpu.memory_space<hbm>>
          %dma_wait3A_142 = tpu.memref_squeeze %dma_wait3A_141 : memref<1x1x100000xf32, #tpu.memory_space<hbm>> -> memref<100000xf32, #tpu.memory_space<hbm>>
          tpu.wait_dma2 semaphore(%run_scoped3A : memref<!tpu.dma_semaphore, #tpu.memory_space<semaphore_mem>>) src(%dma_wait3A_142 : memref<100000xf32, #tpu.memory_space<hbm>>) dst(%arg8 : memref<100000xf32, #tpu.memory_space<vmem>>)
          tpu.yield
        }) : () -> ()
        %scan3A_61 = arith.constant 0 : i32
        %scan3A_62 = arith.constant 0 : i32
        %scan3A_63 = arith.constant 256 : i32
        %scan3A_64 = arith.addi %scan3A_62, %scan3A_63 : i32
        %scan3A_65 = arith.constant 8 : i32
        scf.for %scan3A_131 = %scan3A_62 to %scan3A_64 step %scan3A_65  : i32 {
          %mul3A_132 = arith.constant 16 : i32
          %mul3A_133 = arith.muli %scan3A_131, %mul3A_132 : i32
          %add3A_134 = arith.constant 0 : i32
          %add3A_135 = arith.addi %add3A_134, %mul3A_133 : i32
          %get3A = arith.index_cast %add3A_135 : i32 to index
          %get3A_136 = tpu.vector_load %arg9[%get3A] {strides = array<i32>} : memref<16384xi32, #tpu.memory_space<vmem>>, vector<16xi32>,
          %gather3A = tpu.vector_load_idx %arg8[%get3A_136] : memref<100000xf32, #tpu.memory_space<vmem>>[vector<16xi32>], vector<16xf32>,
          %mul3A_137 = arith.constant 16 : i32
          %mul3A_138 = arith.muli %scan3A_131, %mul3A_137 : i32
          %swap3A = arith.index_cast %mul3A_138 : i32 to index
          %swap3A_139 = tpu.vector_load %arg10[%swap3A] {strides = array<i32>} : memref<4096xf32, #tpu.memory_space<vmem>>, vector<16xf32>,
          tpu.vector_store %arg10[%swap3A], %gather3A {strides = array<i32>} : memref<4096xf32, #tpu.memory_space<vmem>>, vector<16xf32>,
          %scan3A_140 = arith.constant 1 : i32
          %scan3A_141 = arith.addi %scan3A_131, %scan3A_140 : i32
          %mul3A_142 = arith.constant 16 : i32
          %mul3A_143 = arith.muli %scan3A_141, %mul3A_142 : i32
          %add3A_144 = arith.constant 0 : i32
          %add3A_145 = arith.addi %add3A_144, %mul3A_143 : i32
          %get3A_146 = arith.index_cast %add3A_145 : i32 to index
          %get3A_147 = tpu.vector_load %arg9[%get3A_146] {strides = array<i32>} : memref<16384xi32, #tpu.memory_space<vmem>>, vector<16xi32>,
          %gather3A_148 = tpu.vector_load_idx %arg8[%get3A_147] : memref<100000xf32, #tpu.memory_space<vmem>>[vector<16xi32>], vector<16xf32>,
          %mul3A_149 = arith.constant 16 : i32
          %mul3A_150 = arith.muli %scan3A_141, %mul3A_149 : i32
          %swap3A_151 = arith.index_cast %mul3A_150 : i32 to index
          %swap3A_152 = tpu.vector_load %arg10[%swap3A_151] {strides = array<i32>} : memref<4096xf32, #tpu.memory_space<vmem>>, vector<16xf32>,
          tpu.vector_store %arg10[%swap3A_151], %gather3A_148 {strides = array<i32>} : memref<4096xf32, #tpu.memory_space<vmem>>, vector<16xf32>,
          %scan3A_153 = arith.constant 2 : i32
          %scan3A_154 = arith.addi %scan3A_131, %scan3A_153 : i32
          %mul3A_155 = arith.constant 16 : i32
          %mul3A_156 = arith.muli %scan3A_154, %mul3A_155 : i32
          %add3A_157 = arith.constant 0 : i32
          %add3A_158 = arith.addi %add3A_157, %mul3A_156 : i32
          %get3A_159 = arith.index_cast %add3A_158 : i32 to index
          %get3A_160 = tpu.vector_load %arg9[%get3A_159] {strides = array<i32>} : memref<16384xi32, #tpu.memory_space<vmem>>, vector<16xi32>,
          %gather3A_161 = tpu.vector_load_idx %arg8[%get3A_160] : memref<100000xf32, #tpu.memory_space<vmem>>[vector<16xi32>], vector<16xf32>,
          %mul3A_162 = arith.constant 16 : i32
          %mul3A_163 = arith.muli %scan3A_154, %mul3A_162 : i32
          %swap3A_164 = arith.index_cast %mul3A_163 : i32 to index
          %swap3A_165 = tpu.vector_load %arg10[%swap3A_164] {strides = array<i32>} : memref<4096xf32, #tpu.memory_space<vmem>>, vector<16xf32>,
          tpu.vector_store %arg10[%swap3A_164], %gather3A_161 {strides = array<i32>} : memref<4096xf32, #tpu.memory_space<vmem>>, vector<16xf32>,
          %scan3A_166 = arith.constant 3 : i32
          %scan3A_167 = arith.addi %scan3A_131, %scan3A_166 : i32
          %mul3A_168 = arith.constant 16 : i32
          %mul3A_169 = arith.muli %scan3A_167, %mul3A_168 : i32
          %add3A_170 = arith.constant 0 : i32
          %add3A_171 = arith.addi %add3A_170, %mul3A_169 : i32
          %get3A_172 = arith.index_cast %add3A_171 : i32 to index
          %get3A_173 = tpu.vector_load %arg9[%get3A_172] {strides = array<i32>} : memref<16384xi32, #tpu.memory_space<vmem>>, vector<16xi32>,
          %gather3A_174 = tpu.vector_load_idx %arg8[%get3A_173] : memref<100000xf32, #tpu.memory_space<vmem>>[vector<16xi32>], vector<16xf32>,
          %mul3A_175 = arith.constant 16 : i32
          %mul3A_176 = arith.muli %scan3A_167, %mul3A_175 : i32
          %swap3A_177 = arith.index_cast %mul3A_176 : i32 to index
          %swap3A_178 = tpu.vector_load %arg10[%swap3A_177] {strides = array<i32>} : memref<4096xf32, #tpu.memory_space<vmem>>, vector<16xf32>,
          tpu.vector_store %arg10[%swap3A_177], %gather3A_174 {strides = array<i32>} : memref<4096xf32, #tpu.memory_space<vmem>>, vector<16xf32>,
          %scan3A_179 = arith.constant 4 : i32
          %scan3A_180 = arith.addi %scan3A_131, %scan3A_179 : i32
          %mul3A_181 = arith.constant 16 : i32
          %mul3A_182 = arith.muli %scan3A_180, %mul3A_181 : i32
          %add3A_183 = arith.constant 0 : i32
          %add3A_184 = arith.addi %add3A_183, %mul3A_182 : i32
          %get3A_185 = arith.index_cast %add3A_184 : i32 to index
          %get3A_186 = tpu.vector_load %arg9[%get3A_185] {strides = array<i32>} : memref<16384xi32, #tpu.memory_space<vmem>>, vector<16xi32>,
          %gather3A_187 = tpu.vector_load_idx %arg8[%get3A_186] : memref<100000xf32, #tpu.memory_space<vmem>>[vector<16xi32>], vector<16xf32>,
          %mul3A_188 = arith.constant 16 : i32
          %mul3A_189 = arith.muli %scan3A_180, %mul3A_188 : i32
          %swap3A_190 = arith.index_cast %mul3A_189 : i32 to index
          %swap3A_191 = tpu.vector_load %arg10[%swap3A_190] {strides = array<i32>} : memref<4096xf32, #tpu.memory_space<vmem>>, vector<16xf32>,
          tpu.vector_store %arg10[%swap3A_190], %gather3A_187 {strides = array<i32>} : memref<4096xf32, #tpu.memory_space<vmem>>, vector<16xf32>,
          %scan3A_192 = arith.constant 5 : i32
          %scan3A_193 = arith.addi %scan3A_131, %scan3A_192 : i32
          %mul3A_194 = arith.constant 16 : i32
          %mul3A_195 = arith.muli %scan3A_193, %mul3A_194 : i32
          %add3A_196 = arith.constant 0 : i32
          %add3A_197 = arith.addi %add3A_196, %mul3A_195 : i32
          %get3A_198 = arith.index_cast %add3A_197 : i32 to index
          %get3A_199 = tpu.vector_load %arg9[%get3A_198] {strides = array<i32>} : memref<16384xi32, #tpu.memory_space<vmem>>, vector<16xi32>,
          %gather3A_200 = tpu.vector_load_idx %arg8[%get3A_199] : memref<100000xf32, #tpu.memory_space<vmem>>[vector<16xi32>], vector<16xf32>,
          %mul3A_201 = arith.constant 16 : i32
          %mul3A_202 = arith.muli %scan3A_193, %mul3A_201 : i32
          %swap3A_203 = arith.index_cast %mul3A_202 : i32 to index
          %swap3A_204 = tpu.vector_load %arg10[%swap3A_203] {strides = array<i32>} : memref<4096xf32, #tpu.memory_space<vmem>>, vector<16xf32>,
          tpu.vector_store %arg10[%swap3A_203], %gather3A_200 {strides = array<i32>} : memref<4096xf32, #tpu.memory_space<vmem>>, vector<16xf32>,
          %scan3A_205 = arith.constant 6 : i32
          %scan3A_206 = arith.addi %scan3A_131, %scan3A_205 : i32
          %mul3A_207 = arith.constant 16 : i32
          %mul3A_208 = arith.muli %scan3A_206, %mul3A_207 : i32
          %add3A_209 = arith.constant 0 : i32
          %add3A_210 = arith.addi %add3A_209, %mul3A_208 : i32
          %get3A_211 = arith.index_cast %add3A_210 : i32 to index
          %get3A_212 = tpu.vector_load %arg9[%get3A_211] {strides = array<i32>} : memref<16384xi32, #tpu.memory_space<vmem>>, vector<16xi32>,
          %gather3A_213 = tpu.vector_load_idx %arg8[%get3A_212] : memref<100000xf32, #tpu.memory_space<vmem>>[vector<16xi32>], vector<16xf32>,
          %mul3A_214 = arith.constant 16 : i32
          %mul3A_215 = arith.muli %scan3A_206, %mul3A_214 : i32
          %swap3A_216 = arith.index_cast %mul3A_215 : i32 to index
          %swap3A_217 = tpu.vector_load %arg10[%swap3A_216] {strides = array<i32>} : memref<4096xf32, #tpu.memory_space<vmem>>, vector<16xf32>,
          tpu.vector_store %arg10[%swap3A_216], %gather3A_213 {strides = array<i32>} : memref<4096xf32, #tpu.memory_space<vmem>>, vector<16xf32>,
          %scan3A_218 = arith.constant 7 : i32
          %scan3A_219 = arith.addi %scan3A_131, %scan3A_218 : i32
          %mul3A_220 = arith.constant 16 : i32
          %mul3A_221 = arith.muli %scan3A_219, %mul3A_220 : i32
          %add3A_222 = arith.constant 0 : i32
          %add3A_223 = arith.addi %add3A_222, %mul3A_221 : i32
          %get3A_224 = arith.index_cast %add3A_223 : i32 to index
          %get3A_225 = tpu.vector_load %arg9[%get3A_224] {strides = array<i32>} : memref<16384xi32, #tpu.memory_space<vmem>>, vector<16xi32>,
          %gather3A_226 = tpu.vector_load_idx %arg8[%get3A_225] : memref<100000xf32, #tpu.memory_space<vmem>>[vector<16xi32>], vector<16xf32>,
          %mul3A_227 = arith.constant 16 : i32
          %mul3A_228 = arith.muli %scan3A_219, %mul3A_227 : i32
          %swap3A_229 = arith.index_cast %mul3A_228 : i32 to index
          %swap3A_230 = tpu.vector_load %arg10[%swap3A_229] {strides = array<i32>} : memref<4096xf32, #tpu.memory_space<vmem>>, vector<16xf32>,
          tpu.vector_store %arg10[%swap3A_229], %gather3A_226 {strides = array<i32>} : memref<4096xf32, #tpu.memory_space<vmem>>, vector<16xf32>,
        }
        %scan3A_66 = arith.constant 256 : i32
        %dma_start3A = arith.constant 0 : i32
        %dma_start3A_67 = tpu.memref_slice %arg7[%select_n3A, %select_n3A_41, %dma_start3A] : memref<30x32x16384xf32, #tpu.memory_space<hbm>> -> memref<1x1x4096xf32, #tpu.memory_space<hbm>>
        %dma_start3A_68 = tpu.memref_squeeze %dma_start3A_67 : memref<1x1x4096xf32, #tpu.memory_space<hbm>> -> memref<4096xf32, #tpu.memory_space<hbm>>
        %dma_start3A_69 = arith.constant 0 : i32
        %dma_start3A_70 = tpu.memref_slice %arg7[%select_n3A, %select_n3A_41, %dma_start3A_69] : memref<30x32x16384xf32, #tpu.memory_space<hbm>> -> memref<1x1x4096xf32, #tpu.memory_space<hbm>>
        %dma_start3A_71 = tpu.memref_squeeze %dma_start3A_70 : memref<1x1x4096xf32, #tpu.memory_space<hbm>> -> memref<4096xf32, #tpu.memory_space<hbm>>
        tpu.enqueue_dma source(%arg10 : memref<4096xf32, #tpu.memory_space<vmem>>) target(%dma_start3A_71 : memref<4096xf32, #tpu.memory_space<hbm>>) target_semaphore(%arg14 : memref<!tpu.dma_semaphore, #tpu.memory_space<semaphore_mem>>)
        %scan3A_72 = arith.constant 0 : i32
        %scan3A_73 = arith.constant 0 : i32
        %scan3A_74 = arith.constant 256 : i32
        %scan3A_75 = arith.addi %scan3A_73, %scan3A_74 : i32
        %scan3A_76 = arith.constant 8 : i32
        scf.for %scan3A_131 = %scan3A_73 to %scan3A_75 step %scan3A_76  : i32 {
          %mul3A_132 = arith.constant 16 : i32
          %mul3A_133 = arith.muli %scan3A_131, %mul3A_132 : i32
          %add3A_134 = arith.constant 4096 : i32
          %add3A_135 = arith.addi %add3A_134, %mul3A_133 : i32
          %get3A = arith.index_cast %add3A_135 : i32 to index
          %get3A_136 = tpu.vector_load %arg9[%get3A] {strides = array<i32>} : memref<16384xi32, #tpu.memory_space<vmem>>, vector<16xi32>,
          %gather3A = tpu.vector_load_idx %arg8[%get3A_136] : memref<100000xf32, #tpu.memory_space<vmem>>[vector<16xi32>], vector<16xf32>,
          %mul3A_137 = arith.constant 16 : i32
          %mul3A_138 = arith.muli %scan3A_131, %mul3A_137 : i32
          %swap3A = arith.index_cast %mul3A_138 : i32 to index
          %swap3A_139 = tpu.vector_load %arg11[%swap3A] {strides = array<i32>} : memref<4096xf32, #tpu.memory_space<vmem>>, vector<16xf32>,
          tpu.vector_store %arg11[%swap3A], %gather3A {strides = array<i32>} : memref<4096xf32, #tpu.memory_space<vmem>>, vector<16xf32>,
          %scan3A_140 = arith.constant 1 : i32
          %scan3A_141 = arith.addi %scan3A_131, %scan3A_140 : i32
          %mul3A_142 = arith.constant 16 : i32
          %mul3A_143 = arith.muli %scan3A_141, %mul3A_142 : i32
          %add3A_144 = arith.constant 4096 : i32
          %add3A_145 = arith.addi %add3A_144, %mul3A_143 : i32
          %get3A_146 = arith.index_cast %add3A_145 : i32 to index
          %get3A_147 = tpu.vector_load %arg9[%get3A_146] {strides = array<i32>} : memref<16384xi32, #tpu.memory_space<vmem>>, vector<16xi32>,
          %gather3A_148 = tpu.vector_load_idx %arg8[%get3A_147] : memref<100000xf32, #tpu.memory_space<vmem>>[vector<16xi32>], vector<16xf32>,
          %mul3A_149 = arith.constant 16 : i32
          %mul3A_150 = arith.muli %scan3A_141, %mul3A_149 : i32
          %swap3A_151 = arith.index_cast %mul3A_150 : i32 to index
          %swap3A_152 = tpu.vector_load %arg11[%swap3A_151] {strides = array<i32>} : memref<4096xf32, #tpu.memory_space<vmem>>, vector<16xf32>,
          tpu.vector_store %arg11[%swap3A_151], %gather3A_148 {strides = array<i32>} : memref<4096xf32, #tpu.memory_space<vmem>>, vector<16xf32>,
          %scan3A_153 = arith.constant 2 : i32
          %scan3A_154 = arith.addi %scan3A_131, %scan3A_153 : i32
          %mul3A_155 = arith.constant 16 : i32
          %mul3A_156 = arith.muli %scan3A_154, %mul3A_155 : i32
          %add3A_157 = arith.constant 4096 : i32
          %add3A_158 = arith.addi %add3A_157, %mul3A_156 : i32
          %get3A_159 = arith.index_cast %add3A_158 : i32 to index
          %get3A_160 = tpu.vector_load %arg9[%get3A_159] {strides = array<i32>} : memref<16384xi32, #tpu.memory_space<vmem>>, vector<16xi32>,
          %gather3A_161 = tpu.vector_load_idx %arg8[%get3A_160] : memref<100000xf32, #tpu.memory_space<vmem>>[vector<16xi32>], vector<16xf32>,
          %mul3A_162 = arith.constant 16 : i32
          %mul3A_163 = arith.muli %scan3A_154, %mul3A_162 : i32
          %swap3A_164 = arith.index_cast %mul3A_163 : i32 to index
          %swap3A_165 = tpu.vector_load %arg11[%swap3A_164] {strides = array<i32>} : memref<4096xf32, #tpu.memory_space<vmem>>, vector<16xf32>,
          tpu.vector_store %arg11[%swap3A_164], %gather3A_161 {strides = array<i32>} : memref<4096xf32, #tpu.memory_space<vmem>>, vector<16xf32>,
          %scan3A_166 = arith.constant 3 : i32
          %scan3A_167 = arith.addi %scan3A_131, %scan3A_166 : i32
          %mul3A_168 = arith.constant 16 : i32
          %mul3A_169 = arith.muli %scan3A_167, %mul3A_168 : i32
          %add3A_170 = arith.constant 4096 : i32
          %add3A_171 = arith.addi %add3A_170, %mul3A_169 : i32
          %get3A_172 = arith.index_cast %add3A_171 : i32 to index
          %get3A_173 = tpu.vector_load %arg9[%get3A_172] {strides = array<i32>} : memref<16384xi32, #tpu.memory_space<vmem>>, vector<16xi32>,
          %gather3A_174 = tpu.vector_load_idx %arg8[%get3A_173] : memref<100000xf32, #tpu.memory_space<vmem>>[vector<16xi32>], vector<16xf32>,
          %mul3A_175 = arith.constant 16 : i32
          %mul3A_176 = arith.muli %scan3A_167, %mul3A_175 : i32
          %swap3A_177 = arith.index_cast %mul3A_176 : i32 to index
          %swap3A_178 = tpu.vector_load %arg11[%swap3A_177] {strides = array<i32>} : memref<4096xf32, #tpu.memory_space<vmem>>, vector<16xf32>,
          tpu.vector_store %arg11[%swap3A_177], %gather3A_174 {strides = array<i32>} : memref<4096xf32, #tpu.memory_space<vmem>>, vector<16xf32>,
          %scan3A_179 = arith.constant 4 : i32
          %scan3A_180 = arith.addi %scan3A_131, %scan3A_179 : i32
          %mul3A_181 = arith.constant 16 : i32
          %mul3A_182 = arith.muli %scan3A_180, %mul3A_181 : i32
          %add3A_183 = arith.constant 4096 : i32
          %add3A_184 = arith.addi %add3A_183, %mul3A_182 : i32
          %get3A_185 = arith.index_cast %add3A_184 : i32 to index
          %get3A_186 = tpu.vector_load %arg9[%get3A_185] {strides = array<i32>} : memref<16384xi32, #tpu.memory_space<vmem>>, vector<16xi32>,
          %gather3A_187 = tpu.vector_load_idx %arg8[%get3A_186] : memref<100000xf32, #tpu.memory_space<vmem>>[vector<16xi32>], vector<16xf32>,
          %mul3A_188 = arith.constant 16 : i32
          %mul3A_189 = arith.muli %scan3A_180, %mul3A_188 : i32
          %swap3A_190 = arith.index_cast %mul3A_189 : i32 to index
          %swap3A_191 = tpu.vector_load %arg11[%swap3A_190] {strides = array<i32>} : memref<4096xf32, #tpu.memory_space<vmem>>, vector<16xf32>,
          tpu.vector_store %arg11[%swap3A_190], %gather3A_187 {strides = array<i32>} : memref<4096xf32, #tpu.memory_space<vmem>>, vector<16xf32>,
          %scan3A_192 = arith.constant 5 : i32
          %scan3A_193 = arith.addi %scan3A_131, %scan3A_192 : i32
          %mul3A_194 = arith.constant 16 : i32
          %mul3A_195 = arith.muli %scan3A_193, %mul3A_194 : i32
          %add3A_196 = arith.constant 4096 : i32
          %add3A_197 = arith.addi %add3A_196, %mul3A_195 : i32
          %get3A_198 = arith.index_cast %add3A_197 : i32 to index
          %get3A_199 = tpu.vector_load %arg9[%get3A_198] {strides = array<i32>} : memref<16384xi32, #tpu.memory_space<vmem>>, vector<16xi32>,
          %gather3A_200 = tpu.vector_load_idx %arg8[%get3A_199] : memref<100000xf32, #tpu.memory_space<vmem>>[vector<16xi32>], vector<16xf32>,
          %mul3A_201 = arith.constant 16 : i32
          %mul3A_202 = arith.muli %scan3A_193, %mul3A_201 : i32
          %swap3A_203 = arith.index_cast %mul3A_202 : i32 to index
          %swap3A_204 = tpu.vector_load %arg11[%swap3A_203] {strides = array<i32>} : memref<4096xf32, #tpu.memory_space<vmem>>, vector<16xf32>,
          tpu.vector_store %arg11[%swap3A_203], %gather3A_200 {strides = array<i32>} : memref<4096xf32, #tpu.memory_space<vmem>>, vector<16xf32>,
          %scan3A_205 = arith.constant 6 : i32
          %scan3A_206 = arith.addi %scan3A_131, %scan3A_205 : i32
          %mul3A_207 = arith.constant 16 : i32
          %mul3A_208 = arith.muli %scan3A_206, %mul3A_207 : i32
          %add3A_209 = arith.constant 4096 : i32
          %add3A_210 = arith.addi %add3A_209, %mul3A_208 : i32
          %get3A_211 = arith.index_cast %add3A_210 : i32 to index
          %get3A_212 = tpu.vector_load %arg9[%get3A_211] {strides = array<i32>} : memref<16384xi32, #tpu.memory_space<vmem>>, vector<16xi32>,
          %gather3A_213 = tpu.vector_load_idx %arg8[%get3A_212] : memref<100000xf32, #tpu.memory_space<vmem>>[vector<16xi32>], vector<16xf32>,
          %mul3A_214 = arith.constant 16 : i32
          %mul3A_215 = arith.muli %scan3A_206, %mul3A_214 : i32
          %swap3A_216 = arith.index_cast %mul3A_215 : i32 to index
          %swap3A_217 = tpu.vector_load %arg11[%swap3A_216] {strides = array<i32>} : memref<4096xf32, #tpu.memory_space<vmem>>, vector<16xf32>,
          tpu.vector_store %arg11[%swap3A_216], %gather3A_213 {strides = array<i32>} : memref<4096xf32, #tpu.memory_space<vmem>>, vector<16xf32>,
          %scan3A_218 = arith.constant 7 : i32
          %scan3A_219 = arith.addi %scan3A_131, %scan3A_218 : i32
          %mul3A_220 = arith.constant 16 : i32
          %mul3A_221 = arith.muli %scan3A_219, %mul3A_220 : i32
          %add3A_222 = arith.constant 4096 : i32
          %add3A_223 = arith.addi %add3A_222, %mul3A_221 : i32
          %get3A_224 = arith.index_cast %add3A_223 : i32 to index
          %get3A_225 = tpu.vector_load %arg9[%get3A_224] {strides = array<i32>} : memref<16384xi32, #tpu.memory_space<vmem>>, vector<16xi32>,
          %gather3A_226 = tpu.vector_load_idx %arg8[%get3A_225] : memref<100000xf32, #tpu.memory_space<vmem>>[vector<16xi32>], vector<16xf32>,
          %mul3A_227 = arith.constant 16 : i32
          %mul3A_228 = arith.muli %scan3A_219, %mul3A_227 : i32
          %swap3A_229 = arith.index_cast %mul3A_228 : i32 to index
          %swap3A_230 = tpu.vector_load %arg11[%swap3A_229] {strides = array<i32>} : memref<4096xf32, #tpu.memory_space<vmem>>, vector<16xf32>,
          tpu.vector_store %arg11[%swap3A_229], %gather3A_226 {strides = array<i32>} : memref<4096xf32, #tpu.memory_space<vmem>>, vector<16xf32>,
        }
        %scan3A_77 = arith.constant 256 : i32
        %dma_start3A_78 = arith.constant 4096 : i32
        %dma_start3A_79 = tpu.memref_slice %arg7[%select_n3A, %select_n3A_41, %dma_start3A_78] : memref<30x32x16384xf32, #tpu.memory_space<hbm>> -> memref<1x1x4096xf32, #tpu.memory_space<hbm>>
        %dma_start3A_80 = tpu.memref_squeeze %dma_start3A_79 : memref<1x1x4096xf32, #tpu.memory_space<hbm>> -> memref<4096xf32, #tpu.memory_space<hbm>>
        %dma_start3A_81 = arith.constant 4096 : i32
        %dma_start3A_82 = tpu.memref_slice %arg7[%select_n3A, %select_n3A_41, %dma_start3A_81] : memref<30x32x16384xf32, #tpu.memory_space<hbm>> -> memref<1x1x4096xf32, #tpu.memory_space<hbm>>
        %dma_start3A_83 = tpu.memref_squeeze %dma_start3A_82 : memref<1x1x4096xf32, #tpu.memory_space<hbm>> -> memref<4096xf32, #tpu.memory_space<hbm>>
        tpu.enqueue_dma source(%arg11 : memref<4096xf32, #tpu.memory_space<vmem>>) target(%dma_start3A_83 : memref<4096xf32, #tpu.memory_space<hbm>>) target_semaphore(%arg14 : memref<!tpu.dma_semaphore, #tpu.memory_space<semaphore_mem>>)
        %dma_wait3A = arith.constant 0 : i32
        %dma_wait3A_84 = tpu.memref_slice %arg7[%select_n3A, %select_n3A_41, %dma_wait3A] : memref<30x32x16384xf32, #tpu.memory_space<hbm>> -> memref<1x1x4096xf32, #tpu.memory_space<hbm>>
        %dma_wait3A_85 = tpu.memref_squeeze %dma_wait3A_84 : memref<1x1x4096xf32, #tpu.memory_space<hbm>> -> memref<4096xf32, #tpu.memory_space<hbm>>
        %dma_wait3A_86 = arith.constant 0 : i32
        %dma_wait3A_87 = tpu.memref_slice %arg7[%select_n3A, %select_n3A_41, %dma_wait3A_86] : memref<30x32x16384xf32, #tpu.memory_space<hbm>> -> memref<1x1x4096xf32, #tpu.memory_space<hbm>>
        %dma_wait3A_88 = tpu.memref_squeeze %dma_wait3A_87 : memref<1x1x4096xf32, #tpu.memory_space<hbm>> -> memref<4096xf32, #tpu.memory_space<hbm>>
        tpu.wait_dma2 semaphore(%arg14 : memref<!tpu.dma_semaphore, #tpu.memory_space<semaphore_mem>>) src(%arg10 : memref<4096xf32, #tpu.memory_space<vmem>>) dst(%dma_wait3A_88 : memref<4096xf32, #tpu.memory_space<hbm>>)
        %scan3A_89 = arith.constant 0 : i32
        %scan3A_90 = arith.constant 0 : i32
        %scan3A_91 = arith.constant 256 : i32
        %scan3A_92 = arith.addi %scan3A_90, %scan3A_91 : i32
        %scan3A_93 = arith.constant 8 : i32
        scf.for %scan3A_131 = %scan3A_90 to %scan3A_92 step %scan3A_93  : i32 {
          %mul3A_132 = arith.constant 16 : i32
          %mul3A_133 = arith.muli %scan3A_131, %mul3A_132 : i32
          %add3A_134 = arith.constant 8192 : i32
          %add3A_135 = arith.addi %add3A_134, %mul3A_133 : i32
          %get3A = arith.index_cast %add3A_135 : i32 to index
          %get3A_136 = tpu.vector_load %arg9[%get3A] {strides = array<i32>} : memref<16384xi32, #tpu.memory_space<vmem>>, vector<16xi32>,
          %gather3A = tpu.vector_load_idx %arg8[%get3A_136] : memref<100000xf32, #tpu.memory_space<vmem>>[vector<16xi32>], vector<16xf32>,
          %mul3A_137 = arith.constant 16 : i32
          %mul3A_138 = arith.muli %scan3A_131, %mul3A_137 : i32
          %swap3A = arith.index_cast %mul3A_138 : i32 to index
          %swap3A_139 = tpu.vector_load %arg10[%swap3A] {strides = array<i32>} : memref<4096xf32, #tpu.memory_space<vmem>>, vector<16xf32>,
          tpu.vector_store %arg10[%swap3A], %gather3A {strides = array<i32>} : memref<4096xf32, #tpu.memory_space<vmem>>, vector<16xf32>,
          %scan3A_140 = arith.constant 1 : i32
          %scan3A_141 = arith.addi %scan3A_131, %scan3A_140 : i32
          %mul3A_142 = arith.constant 16 : i32
          %mul3A_143 = arith.muli %scan3A_141, %mul3A_142 : i32
          %add3A_144 = arith.constant 8192 : i32
          %add3A_145 = arith.addi %add3A_144, %mul3A_143 : i32
          %get3A_146 = arith.index_cast %add3A_145 : i32 to index
          %get3A_147 = tpu.vector_load %arg9[%get3A_146] {strides = array<i32>} : memref<16384xi32, #tpu.memory_space<vmem>>, vector<16xi32>,
          %gather3A_148 = tpu.vector_load_idx %arg8[%get3A_147] : memref<100000xf32, #tpu.memory_space<vmem>>[vector<16xi32>], vector<16xf32>,
          %mul3A_149 = arith.constant 16 : i32
          %mul3A_150 = arith.muli %scan3A_141, %mul3A_149 : i32
          %swap3A_151 = arith.index_cast %mul3A_150 : i32 to index
          %swap3A_152 = tpu.vector_load %arg10[%swap3A_151] {strides = array<i32>} : memref<4096xf32, #tpu.memory_space<vmem>>, vector<16xf32>,
          tpu.vector_store %arg10[%swap3A_151], %gather3A_148 {strides = array<i32>} : memref<4096xf32, #tpu.memory_space<vmem>>, vector<16xf32>,
          %scan3A_153 = arith.constant 2 : i32
          %scan3A_154 = arith.addi %scan3A_131, %scan3A_153 : i32
          %mul3A_155 = arith.constant 16 : i32
          %mul3A_156 = arith.muli %scan3A_154, %mul3A_155 : i32
          %add3A_157 = arith.constant 8192 : i32
          %add3A_158 = arith.addi %add3A_157, %mul3A_156 : i32
          %get3A_159 = arith.index_cast %add3A_158 : i32 to index
          %get3A_160 = tpu.vector_load %arg9[%get3A_159] {strides = array<i32>} : memref<16384xi32, #tpu.memory_space<vmem>>, vector<16xi32>,
          %gather3A_161 = tpu.vector_load_idx %arg8[%get3A_160] : memref<100000xf32, #tpu.memory_space<vmem>>[vector<16xi32>], vector<16xf32>,
          %mul3A_162 = arith.constant 16 : i32
          %mul3A_163 = arith.muli %scan3A_154, %mul3A_162 : i32
          %swap3A_164 = arith.index_cast %mul3A_163 : i32 to index
          %swap3A_165 = tpu.vector_load %arg10[%swap3A_164] {strides = array<i32>} : memref<4096xf32, #tpu.memory_space<vmem>>, vector<16xf32>,
          tpu.vector_store %arg10[%swap3A_164], %gather3A_161 {strides = array<i32>} : memref<4096xf32, #tpu.memory_space<vmem>>, vector<16xf32>,
          %scan3A_166 = arith.constant 3 : i32
          %scan3A_167 = arith.addi %scan3A_131, %scan3A_166 : i32
          %mul3A_168 = arith.constant 16 : i32
          %mul3A_169 = arith.muli %scan3A_167, %mul3A_168 : i32
          %add3A_170 = arith.constant 8192 : i32
          %add3A_171 = arith.addi %add3A_170, %mul3A_169 : i32
          %get3A_172 = arith.index_cast %add3A_171 : i32 to index
          %get3A_173 = tpu.vector_load %arg9[%get3A_172] {strides = array<i32>} : memref<16384xi32, #tpu.memory_space<vmem>>, vector<16xi32>,
          %gather3A_174 = tpu.vector_load_idx %arg8[%get3A_173] : memref<100000xf32, #tpu.memory_space<vmem>>[vector<16xi32>], vector<16xf32>,
          %mul3A_175 = arith.constant 16 : i32
          %mul3A_176 = arith.muli %scan3A_167, %mul3A_175 : i32
          %swap3A_177 = arith.index_cast %mul3A_176 : i32 to index
          %swap3A_178 = tpu.vector_load %arg10[%swap3A_177] {strides = array<i32>} : memref<4096xf32, #tpu.memory_space<vmem>>, vector<16xf32>,
          tpu.vector_store %arg10[%swap3A_177], %gather3A_174 {strides = array<i32>} : memref<4096xf32, #tpu.memory_space<vmem>>, vector<16xf32>,
          %scan3A_179 = arith.constant 4 : i32
          %scan3A_180 = arith.addi %scan3A_131, %scan3A_179 : i32
          %mul3A_181 = arith.constant 16 : i32
          %mul3A_182 = arith.muli %scan3A_180, %mul3A_181 : i32
          %add3A_183 = arith.constant 8192 : i32
          %add3A_184 = arith.addi %add3A_183, %mul3A_182 : i32
          %get3A_185 = arith.index_cast %add3A_184 : i32 to index
          %get3A_186 = tpu.vector_load %arg9[%get3A_185] {strides = array<i32>} : memref<16384xi32, #tpu.memory_space<vmem>>, vector<16xi32>,
          %gather3A_187 = tpu.vector_load_idx %arg8[%get3A_186] : memref<100000xf32, #tpu.memory_space<vmem>>[vector<16xi32>], vector<16xf32>,
          %mul3A_188 = arith.constant 16 : i32
          %mul3A_189 = arith.muli %scan3A_180, %mul3A_188 : i32
          %swap3A_190 = arith.index_cast %mul3A_189 : i32 to index
          %swap3A_191 = tpu.vector_load %arg10[%swap3A_190] {strides = array<i32>} : memref<4096xf32, #tpu.memory_space<vmem>>, vector<16xf32>,
          tpu.vector_store %arg10[%swap3A_190], %gather3A_187 {strides = array<i32>} : memref<4096xf32, #tpu.memory_space<vmem>>, vector<16xf32>,
          %scan3A_192 = arith.constant 5 : i32
          %scan3A_193 = arith.addi %scan3A_131, %scan3A_192 : i32
          %mul3A_194 = arith.constant 16 : i32
          %mul3A_195 = arith.muli %scan3A_193, %mul3A_194 : i32
          %add3A_196 = arith.constant 8192 : i32
          %add3A_197 = arith.addi %add3A_196, %mul3A_195 : i32
          %get3A_198 = arith.index_cast %add3A_197 : i32 to index
          %get3A_199 = tpu.vector_load %arg9[%get3A_198] {strides = array<i32>} : memref<16384xi32, #tpu.memory_space<vmem>>, vector<16xi32>,
          %gather3A_200 = tpu.vector_load_idx %arg8[%get3A_199] : memref<100000xf32, #tpu.memory_space<vmem>>[vector<16xi32>], vector<16xf32>,
          %mul3A_201 = arith.constant 16 : i32
          %mul3A_202 = arith.muli %scan3A_193, %mul3A_201 : i32
          %swap3A_203 = arith.index_cast %mul3A_202 : i32 to index
          %swap3A_204 = tpu.vector_load %arg10[%swap3A_203] {strides = array<i32>} : memref<4096xf32, #tpu.memory_space<vmem>>, vector<16xf32>,
          tpu.vector_store %arg10[%swap3A_203], %gather3A_200 {strides = array<i32>} : memref<4096xf32, #tpu.memory_space<vmem>>, vector<16xf32>,
          %scan3A_205 = arith.constant 6 : i32
          %scan3A_206 = arith.addi %scan3A_131, %scan3A_205 : i32
          %mul3A_207 = arith.constant 16 : i32
          %mul3A_208 = arith.muli %scan3A_206, %mul3A_207 : i32
          %add3A_209 = arith.constant 8192 : i32
          %add3A_210 = arith.addi %add3A_209, %mul3A_208 : i32
          %get3A_211 = arith.index_cast %add3A_210 : i32 to index
          %get3A_212 = tpu.vector_load %arg9[%get3A_211] {strides = array<i32>} : memref<16384xi32, #tpu.memory_space<vmem>>, vector<16xi32>,
          %gather3A_213 = tpu.vector_load_idx %arg8[%get3A_212] : memref<100000xf32, #tpu.memory_space<vmem>>[vector<16xi32>], vector<16xf32>,
          %mul3A_214 = arith.constant 16 : i32
          %mul3A_215 = arith.muli %scan3A_206, %mul3A_214 : i32
          %swap3A_216 = arith.index_cast %mul3A_215 : i32 to index
          %swap3A_217 = tpu.vector_load %arg10[%swap3A_216] {strides = array<i32>} : memref<4096xf32, #tpu.memory_space<vmem>>, vector<16xf32>,
          tpu.vector_store %arg10[%swap3A_216], %gather3A_213 {strides = array<i32>} : memref<4096xf32, #tpu.memory_space<vmem>>, vector<16xf32>,
          %scan3A_218 = arith.constant 7 : i32
          %scan3A_219 = arith.addi %scan3A_131, %scan3A_218 : i32
          %mul3A_220 = arith.constant 16 : i32
          %mul3A_221 = arith.muli %scan3A_219, %mul3A_220 : i32
          %add3A_222 = arith.constant 8192 : i32
          %add3A_223 = arith.addi %add3A_222, %mul3A_221 : i32
          %get3A_224 = arith.index_cast %add3A_223 : i32 to index
          %get3A_225 = tpu.vector_load %arg9[%get3A_224] {strides = array<i32>} : memref<16384xi32, #tpu.memory_space<vmem>>, vector<16xi32>,
          %gather3A_226 = tpu.vector_load_idx %arg8[%get3A_225] : memref<100000xf32, #tpu.memory_space<vmem>>[vector<16xi32>], vector<16xf32>,
          %mul3A_227 = arith.constant 16 : i32
          %mul3A_228 = arith.muli %scan3A_219, %mul3A_227 : i32
          %swap3A_229 = arith.index_cast %mul3A_228 : i32 to index
          %swap3A_230 = tpu.vector_load %arg10[%swap3A_229] {strides = array<i32>} : memref<4096xf32, #tpu.memory_space<vmem>>, vector<16xf32>,
          tpu.vector_store %arg10[%swap3A_229], %gather3A_226 {strides = array<i32>} : memref<4096xf32, #tpu.memory_space<vmem>>, vector<16xf32>,
        }
        %scan3A_94 = arith.constant 256 : i32
        %dma_start3A_95 = arith.constant 8192 : i32
        %dma_start3A_96 = tpu.memref_slice %arg7[%select_n3A, %select_n3A_41, %dma_start3A_95] : memref<30x32x16384xf32, #tpu.memory_space<hbm>> -> memref<1x1x4096xf32, #tpu.memory_space<hbm>>
        %dma_start3A_97 = tpu.memref_squeeze %dma_start3A_96 : memref<1x1x4096xf32, #tpu.memory_space<hbm>> -> memref<4096xf32, #tpu.memory_space<hbm>>
        %dma_start3A_98 = arith.constant 8192 : i32
        %dma_start3A_99 = tpu.memref_slice %arg7[%select_n3A, %select_n3A_41, %dma_start3A_98] : memref<30x32x16384xf32, #tpu.memory_space<hbm>> -> memref<1x1x4096xf32, #tpu.memory_space<hbm>>
        %dma_start3A_100 = tpu.memref_squeeze %dma_start3A_99 : memref<1x1x4096xf32, #tpu.memory_space<hbm>> -> memref<4096xf32, #tpu.memory_space<hbm>>
        tpu.enqueue_dma source(%arg10 : memref<4096xf32, #tpu.memory_space<vmem>>) target(%dma_start3A_100 : memref<4096xf32, #tpu.memory_space<hbm>>) target_semaphore(%arg14 : memref<!tpu.dma_semaphore, #tpu.memory_space<semaphore_mem>>)
        %dma_wait3A_101 = arith.constant 4096 : i32
        %dma_wait3A_102 = tpu.memref_slice %arg7[%select_n3A, %select_n3A_41, %dma_wait3A_101] : memref<30x32x16384xf32, #tpu.memory_space<hbm>> -> memref<1x1x4096xf32, #tpu.memory_space<hbm>>
        %dma_wait3A_103 = tpu.memref_squeeze %dma_wait3A_102 : memref<1x1x4096xf32, #tpu.memory_space<hbm>> -> memref<4096xf32, #tpu.memory_space<hbm>>
        %dma_wait3A_104 = arith.constant 4096 : i32
        %dma_wait3A_105 = tpu.memref_slice %arg7[%select_n3A, %select_n3A_41, %dma_wait3A_104] : memref<30x32x16384xf32, #tpu.memory_space<hbm>> -> memref<1x1x4096xf32, #tpu.memory_space<hbm>>
        %dma_wait3A_106 = tpu.memref_squeeze %dma_wait3A_105 : memref<1x1x4096xf32, #tpu.memory_space<hbm>> -> memref<4096xf32, #tpu.memory_space<hbm>>
        tpu.wait_dma2 semaphore(%arg14 : memref<!tpu.dma_semaphore, #tpu.memory_space<semaphore_mem>>) src(%arg11 : memref<4096xf32, #tpu.memory_space<vmem>>) dst(%dma_wait3A_106 : memref<4096xf32, #tpu.memory_space<hbm>>)
        %scan3A_107 = arith.constant 0 : i32
        %scan3A_108 = arith.constant 0 : i32
        %scan3A_109 = arith.constant 256 : i32
        %scan3A_110 = arith.addi %scan3A_108, %scan3A_109 : i32
        %scan3A_111 = arith.constant 8 : i32
        scf.for %scan3A_131 = %scan3A_108 to %scan3A_110 step %scan3A_111  : i32 {
          %mul3A_132 = arith.constant 16 : i32
          %mul3A_133 = arith.muli %scan3A_131, %mul3A_132 : i32
          %add3A_134 = arith.constant 12288 : i32
          %add3A_135 = arith.addi %add3A_134, %mul3A_133 : i32
          %get3A = arith.index_cast %add3A_135 : i32 to index
          %get3A_136 = tpu.vector_load %arg9[%get3A] {strides = array<i32>} : memref<16384xi32, #tpu.memory_space<vmem>>, vector<16xi32>,
          %gather3A = tpu.vector_load_idx %arg8[%get3A_136] : memref<100000xf32, #tpu.memory_space<vmem>>[vector<16xi32>], vector<16xf32>,
          %mul3A_137 = arith.constant 16 : i32
          %mul3A_138 = arith.muli %scan3A_131, %mul3A_137 : i32
          %swap3A = arith.index_cast %mul3A_138 : i32 to index
          %swap3A_139 = tpu.vector_load %arg11[%swap3A] {strides = array<i32>} : memref<4096xf32, #tpu.memory_space<vmem>>, vector<16xf32>,
          tpu.vector_store %arg11[%swap3A], %gather3A {strides = array<i32>} : memref<4096xf32, #tpu.memory_space<vmem>>, vector<16xf32>,
          %scan3A_140 = arith.constant 1 : i32
          %scan3A_141 = arith.addi %scan3A_131, %scan3A_140 : i32
          %mul3A_142 = arith.constant 16 : i32
          %mul3A_143 = arith.muli %scan3A_141, %mul3A_142 : i32
          %add3A_144 = arith.constant 12288 : i32
          %add3A_145 = arith.addi %add3A_144, %mul3A_143 : i32
          %get3A_146 = arith.index_cast %add3A_145 : i32 to index
          %get3A_147 = tpu.vector_load %arg9[%get3A_146] {strides = array<i32>} : memref<16384xi32, #tpu.memory_space<vmem>>, vector<16xi32>,
          %gather3A_148 = tpu.vector_load_idx %arg8[%get3A_147] : memref<100000xf32, #tpu.memory_space<vmem>>[vector<16xi32>], vector<16xf32>,
          %mul3A_149 = arith.constant 16 : i32
          %mul3A_150 = arith.muli %scan3A_141, %mul3A_149 : i32
          %swap3A_151 = arith.index_cast %mul3A_150 : i32 to index
          %swap3A_152 = tpu.vector_load %arg11[%swap3A_151] {strides = array<i32>} : memref<4096xf32, #tpu.memory_space<vmem>>, vector<16xf32>,
          tpu.vector_store %arg11[%swap3A_151], %gather3A_148 {strides = array<i32>} : memref<4096xf32, #tpu.memory_space<vmem>>, vector<16xf32>,
          %scan3A_153 = arith.constant 2 : i32
          %scan3A_154 = arith.addi %scan3A_131, %scan3A_153 : i32
          %mul3A_155 = arith.constant 16 : i32
          %mul3A_156 = arith.muli %scan3A_154, %mul3A_155 : i32
          %add3A_157 = arith.constant 12288 : i32
          %add3A_158 = arith.addi %add3A_157, %mul3A_156 : i32
          %get3A_159 = arith.index_cast %add3A_158 : i32 to index
          %get3A_160 = tpu.vector_load %arg9[%get3A_159] {strides = array<i32>} : memref<16384xi32, #tpu.memory_space<vmem>>, vector<16xi32>,
          %gather3A_161 = tpu.vector_load_idx %arg8[%get3A_160] : memref<100000xf32, #tpu.memory_space<vmem>>[vector<16xi32>], vector<16xf32>,
          %mul3A_162 = arith.constant 16 : i32
          %mul3A_163 = arith.muli %scan3A_154, %mul3A_162 : i32
          %swap3A_164 = arith.index_cast %mul3A_163 : i32 to index
          %swap3A_165 = tpu.vector_load %arg11[%swap3A_164] {strides = array<i32>} : memref<4096xf32, #tpu.memory_space<vmem>>, vector<16xf32>,
          tpu.vector_store %arg11[%swap3A_164], %gather3A_161 {strides = array<i32>} : memref<4096xf32, #tpu.memory_space<vmem>>, vector<16xf32>,
          %scan3A_166 = arith.constant 3 : i32
          %scan3A_167 = arith.addi %scan3A_131, %scan3A_166 : i32
          %mul3A_168 = arith.constant 16 : i32
          %mul3A_169 = arith.muli %scan3A_167, %mul3A_168 : i32
          %add3A_170 = arith.constant 12288 : i32
          %add3A_171 = arith.addi %add3A_170, %mul3A_169 : i32
          %get3A_172 = arith.index_cast %add3A_171 : i32 to index
          %get3A_173 = tpu.vector_load %arg9[%get3A_172] {strides = array<i32>} : memref<16384xi32, #tpu.memory_space<vmem>>, vector<16xi32>,
          %gather3A_174 = tpu.vector_load_idx %arg8[%get3A_173] : memref<100000xf32, #tpu.memory_space<vmem>>[vector<16xi32>], vector<16xf32>,
          %mul3A_175 = arith.constant 16 : i32
          %mul3A_176 = arith.muli %scan3A_167, %mul3A_175 : i32
          %swap3A_177 = arith.index_cast %mul3A_176 : i32 to index
          %swap3A_178 = tpu.vector_load %arg11[%swap3A_177] {strides = array<i32>} : memref<4096xf32, #tpu.memory_space<vmem>>, vector<16xf32>,
          tpu.vector_store %arg11[%swap3A_177], %gather3A_174 {strides = array<i32>} : memref<4096xf32, #tpu.memory_space<vmem>>, vector<16xf32>,
          %scan3A_179 = arith.constant 4 : i32
          %scan3A_180 = arith.addi %scan3A_131, %scan3A_179 : i32
          %mul3A_181 = arith.constant 16 : i32
          %mul3A_182 = arith.muli %scan3A_180, %mul3A_181 : i32
          %add3A_183 = arith.constant 12288 : i32
          %add3A_184 = arith.addi %add3A_183, %mul3A_182 : i32
          %get3A_185 = arith.index_cast %add3A_184 : i32 to index
          %get3A_186 = tpu.vector_load %arg9[%get3A_185] {strides = array<i32>} : memref<16384xi32, #tpu.memory_space<vmem>>, vector<16xi32>,
          %gather3A_187 = tpu.vector_load_idx %arg8[%get3A_186] : memref<100000xf32, #tpu.memory_space<vmem>>[vector<16xi32>], vector<16xf32>,
          %mul3A_188 = arith.constant 16 : i32
          %mul3A_189 = arith.muli %scan3A_180, %mul3A_188 : i32
          %swap3A_190 = arith.index_cast %mul3A_189 : i32 to index
          %swap3A_191 = tpu.vector_load %arg11[%swap3A_190] {strides = array<i32>} : memref<4096xf32, #tpu.memory_space<vmem>>, vector<16xf32>,
          tpu.vector_store %arg11[%swap3A_190], %gather3A_187 {strides = array<i32>} : memref<4096xf32, #tpu.memory_space<vmem>>, vector<16xf32>,
          %scan3A_192 = arith.constant 5 : i32
          %scan3A_193 = arith.addi %scan3A_131, %scan3A_192 : i32
          %mul3A_194 = arith.constant 16 : i32
          %mul3A_195 = arith.muli %scan3A_193, %mul3A_194 : i32
          %add3A_196 = arith.constant 12288 : i32
          %add3A_197 = arith.addi %add3A_196, %mul3A_195 : i32
          %get3A_198 = arith.index_cast %add3A_197 : i32 to index
          %get3A_199 = tpu.vector_load %arg9[%get3A_198] {strides = array<i32>} : memref<16384xi32, #tpu.memory_space<vmem>>, vector<16xi32>,
          %gather3A_200 = tpu.vector_load_idx %arg8[%get3A_199] : memref<100000xf32, #tpu.memory_space<vmem>>[vector<16xi32>], vector<16xf32>,
          %mul3A_201 = arith.constant 16 : i32
          %mul3A_202 = arith.muli %scan3A_193, %mul3A_201 : i32
          %swap3A_203 = arith.index_cast %mul3A_202 : i32 to index
          %swap3A_204 = tpu.vector_load %arg11[%swap3A_203] {strides = array<i32>} : memref<4096xf32, #tpu.memory_space<vmem>>, vector<16xf32>,
          tpu.vector_store %arg11[%swap3A_203], %gather3A_200 {strides = array<i32>} : memref<4096xf32, #tpu.memory_space<vmem>>, vector<16xf32>,
          %scan3A_205 = arith.constant 6 : i32
          %scan3A_206 = arith.addi %scan3A_131, %scan3A_205 : i32
          %mul3A_207 = arith.constant 16 : i32
          %mul3A_208 = arith.muli %scan3A_206, %mul3A_207 : i32
          %add3A_209 = arith.constant 12288 : i32
          %add3A_210 = arith.addi %add3A_209, %mul3A_208 : i32
          %get3A_211 = arith.index_cast %add3A_210 : i32 to index
          %get3A_212 = tpu.vector_load %arg9[%get3A_211] {strides = array<i32>} : memref<16384xi32, #tpu.memory_space<vmem>>, vector<16xi32>,
          %gather3A_213 = tpu.vector_load_idx %arg8[%get3A_212] : memref<100000xf32, #tpu.memory_space<vmem>>[vector<16xi32>], vector<16xf32>,
          %mul3A_214 = arith.constant 16 : i32
          %mul3A_215 = arith.muli %scan3A_206, %mul3A_214 : i32
          %swap3A_216 = arith.index_cast %mul3A_215 : i32 to index
          %swap3A_217 = tpu.vector_load %arg11[%swap3A_216] {strides = array<i32>} : memref<4096xf32, #tpu.memory_space<vmem>>, vector<16xf32>,
          tpu.vector_store %arg11[%swap3A_216], %gather3A_213 {strides = array<i32>} : memref<4096xf32, #tpu.memory_space<vmem>>, vector<16xf32>,
          %scan3A_218 = arith.constant 7 : i32
          %scan3A_219 = arith.addi %scan3A_131, %scan3A_218 : i32
          %mul3A_220 = arith.constant 16 : i32
          %mul3A_221 = arith.muli %scan3A_219, %mul3A_220 : i32
          %add3A_222 = arith.constant 12288 : i32
          %add3A_223 = arith.addi %add3A_222, %mul3A_221 : i32
          %get3A_224 = arith.index_cast %add3A_223 : i32 to index
          %get3A_225 = tpu.vector_load %arg9[%get3A_224] {strides = array<i32>} : memref<16384xi32, #tpu.memory_space<vmem>>, vector<16xi32>,
          %gather3A_226 = tpu.vector_load_idx %arg8[%get3A_225] : memref<100000xf32, #tpu.memory_space<vmem>>[vector<16xi32>], vector<16xf32>,
          %mul3A_227 = arith.constant 16 : i32
          %mul3A_228 = arith.muli %scan3A_219, %mul3A_227 : i32
          %swap3A_229 = arith.index_cast %mul3A_228 : i32 to index
          %swap3A_230 = tpu.vector_load %arg11[%swap3A_229] {strides = array<i32>} : memref<4096xf32, #tpu.memory_space<vmem>>, vector<16xf32>,
          tpu.vector_store %arg11[%swap3A_229], %gather3A_226 {strides = array<i32>} : memref<4096xf32, #tpu.memory_space<vmem>>, vector<16xf32>,
        }
        %scan3A_112 = arith.constant 256 : i32
        %dma_start3A_113 = arith.constant 12288 : i32
        %dma_start3A_114 = tpu.memref_slice %arg7[%select_n3A, %select_n3A_41, %dma_start3A_113] : memref<30x32x16384xf32, #tpu.memory_space<hbm>> -> memref<1x1x4096xf32, #tpu.memory_space<hbm>>
        %dma_start3A_115 = tpu.memref_squeeze %dma_start3A_114 : memref<1x1x4096xf32, #tpu.memory_space<hbm>> -> memref<4096xf32, #tpu.memory_space<hbm>>
        %dma_start3A_116 = arith.constant 12288 : i32
        %dma_start3A_117 = tpu.memref_slice %arg7[%select_n3A, %select_n3A_41, %dma_start3A_116] : memref<30x32x16384xf32, #tpu.memory_space<hbm>> -> memref<1x1x4096xf32, #tpu.memory_space<hbm>>
        %dma_start3A_118 = tpu.memref_squeeze %dma_start3A_117 : memref<1x1x4096xf32, #tpu.memory_space<hbm>> -> memref<4096xf32, #tpu.memory_space<hbm>>
        tpu.enqueue_dma source(%arg11 : memref<4096xf32, #tpu.memory_space<vmem>>) target(%dma_start3A_118 : memref<4096xf32, #tpu.memory_space<hbm>>) target_semaphore(%arg14 : memref<!tpu.dma_semaphore, #tpu.memory_space<semaphore_mem>>)
        %dma_wait3A_119 = arith.constant 8192 : i32
        %dma_wait3A_120 = tpu.memref_slice %arg7[%select_n3A, %select_n3A_41, %dma_wait3A_119] : memref<30x32x16384xf32, #tpu.memory_space<hbm>> -> memref<1x1x4096xf32, #tpu.memory_space<hbm>>
        %dma_wait3A_121 = tpu.memref_squeeze %dma_wait3A_120 : memref<1x1x4096xf32, #tpu.memory_space<hbm>> -> memref<4096xf32, #tpu.memory_space<hbm>>
        %dma_wait3A_122 = arith.constant 8192 : i32
        %dma_wait3A_123 = tpu.memref_slice %arg7[%select_n3A, %select_n3A_41, %dma_wait3A_122] : memref<30x32x16384xf32, #tpu.memory_space<hbm>> -> memref<1x1x4096xf32, #tpu.memory_space<hbm>>
        %dma_wait3A_124 = tpu.memref_squeeze %dma_wait3A_123 : memref<1x1x4096xf32, #tpu.memory_space<hbm>> -> memref<4096xf32, #tpu.memory_space<hbm>>
        tpu.wait_dma2 semaphore(%arg14 : memref<!tpu.dma_semaphore, #tpu.memory_space<semaphore_mem>>) src(%arg10 : memref<4096xf32, #tpu.memory_space<vmem>>) dst(%dma_wait3A_124 : memref<4096xf32, #tpu.memory_space<hbm>>)
        %dma_wait3A_125 = arith.constant 12288 : i32
        %dma_wait3A_126 = tpu.memref_slice %arg7[%select_n3A, %select_n3A_41, %dma_wait3A_125] : memref<30x32x16384xf32, #tpu.memory_space<hbm>> -> memref<1x1x4096xf32, #tpu.memory_space<hbm>>
        %dma_wait3A_127 = tpu.memref_squeeze %dma_wait3A_126 : memref<1x1x4096xf32, #tpu.memory_space<hbm>> -> memref<4096xf32, #tpu.memory_space<hbm>>
        %dma_wait3A_128 = arith.constant 12288 : i32
        %dma_wait3A_129 = tpu.memref_slice %arg7[%select_n3A, %select_n3A_41, %dma_wait3A_128] : memref<30x32x16384xf32, #tpu.memory_space<hbm>> -> memref<1x1x4096xf32, #tpu.memory_space<hbm>>
        %dma_wait3A_130 = tpu.memref_squeeze %dma_wait3A_129 : memref<1x1x4096xf32, #tpu.memory_space<hbm>> -> memref<4096xf32, #tpu.memory_space<hbm>>
        tpu.wait_dma2 semaphore(%arg14 : memref<!tpu.dma_semaphore, #tpu.memory_space<semaphore_mem>>) src(%arg11 : memref<4096xf32, #tpu.memory_space<vmem>>) dst(%dma_wait3A_130 : memref<4096xf32, #tpu.memory_space<hbm>>)
      } else {
      }
      %lt3A_44 = arith.constant 4 : i32
      %lt3A_45 = arith.cmpi slt, %select_n3A, %lt3A_44 : i32
      %convert_element_type3A_46 = arith.extui %lt3A_45 : i1 to i32
      %cond3A_47 = arith.constant 0 : i32
      %cond3A_48 = arith.cmpi ne, %convert_element_type3A_46, %cond3A_47 : i32
      scf.if %cond3A_48 {
        "tpu.region"() ({
          %run_scoped3A = tpu.sem_alloc : memref<!tpu.dma_semaphore, #tpu.memory_space<semaphore_mem>>
          %dma_start3A_125 = arith.constant 0 : i32
          %dma_start3A_126 = tpu.memref_slice %arg6[%select_n3A, %select_n3A_41, %dma_start3A_125] : memref<4x32x32xf32, #tpu.memory_space<hbm>> -> memref<1x1x32xf32, #tpu.memory_space<hbm>>
          %dma_start3A_127 = tpu.memref_squeeze %dma_start3A_126 : memref<1x1x32xf32, #tpu.memory_space<hbm>> -> memref<32xf32, #tpu.memory_space<hbm>>
          %dma_start3A_128 = arith.constant 0 : i32
          %dma_start3A_129 = tpu.memref_slice %arg6[%select_n3A, %select_n3A_41, %dma_start3A_128] : memref<4x32x32xf32, #tpu.memory_space<hbm>> -> memref<1x1x32xf32, #tpu.memory_space<hbm>>
          %dma_start3A_130 = tpu.memref_squeeze %dma_start3A_129 : memref<1x1x32xf32, #tpu.memory_space<hbm>> -> memref<32xf32, #tpu.memory_space<hbm>>
          tpu.enqueue_dma source(%dma_start3A_130 : memref<32xf32, #tpu.memory_space<hbm>>) target(%arg13 : memref<32xf32, #tpu.memory_space<vmem>>) target_semaphore(%run_scoped3A : memref<!tpu.dma_semaphore, #tpu.memory_space<semaphore_mem>>)
          %dma_wait3A_131 = arith.constant 0 : i32
          %dma_wait3A_132 = tpu.memref_slice %arg6[%select_n3A, %select_n3A_41, %dma_wait3A_131] : memref<4x32x32xf32, #tpu.memory_space<hbm>> -> memref<1x1x32xf32, #tpu.memory_space<hbm>>
          %dma_wait3A_133 = tpu.memref_squeeze %dma_wait3A_132 : memref<1x1x32xf32, #tpu.memory_space<hbm>> -> memref<32xf32, #tpu.memory_space<hbm>>
          %dma_wait3A_134 = arith.constant 0 : i32
          %dma_wait3A_135 = tpu.memref_slice %arg6[%select_n3A, %select_n3A_41, %dma_wait3A_134] : memref<4x32x32xf32, #tpu.memory_space<hbm>> -> memref<1x1x32xf32, #tpu.memory_space<hbm>>
          %dma_wait3A_136 = tpu.memref_squeeze %dma_wait3A_135 : memref<1x1x32xf32, #tpu.memory_space<hbm>> -> memref<32xf32, #tpu.memory_space<hbm>>
          tpu.wait_dma2 semaphore(%run_scoped3A : memref<!tpu.dma_semaphore, #tpu.memory_space<semaphore_mem>>) src(%dma_wait3A_136 : memref<32xf32, #tpu.memory_space<hbm>>) dst(%arg13 : memref<32xf32, #tpu.memory_space<vmem>>)
          tpu.yield
        }) : () -> ()
        "tpu.region"() ({
          %run_scoped3A = tpu.sem_alloc : memref<!tpu.dma_semaphore, #tpu.memory_space<semaphore_mem>>
          %dma_start3A_125 = arith.constant 0 : i32
          %dma_start3A_126 = tpu.memref_slice %arg4[%select_n3A, %dma_start3A_125] : memref<4x16384xi32, #tpu.memory_space<hbm>> -> memref<1x16384xi32, #tpu.memory_space<hbm>>
          %dma_start3A_127 = tpu.memref_squeeze %dma_start3A_126 : memref<1x16384xi32, #tpu.memory_space<hbm>> -> memref<16384xi32, #tpu.memory_space<hbm>>
          %dma_start3A_128 = arith.constant 0 : i32
          %dma_start3A_129 = tpu.memref_slice %arg4[%select_n3A, %dma_start3A_128] : memref<4x16384xi32, #tpu.memory_space<hbm>> -> memref<1x16384xi32, #tpu.memory_space<hbm>>
          %dma_start3A_130 = tpu.memref_squeeze %dma_start3A_129 : memref<1x16384xi32, #tpu.memory_space<hbm>> -> memref<16384xi32, #tpu.memory_space<hbm>>
          tpu.enqueue_dma source(%dma_start3A_130 : memref<16384xi32, #tpu.memory_space<hbm>>) target(%arg9 : memref<16384xi32, #tpu.memory_space<vmem>>) target_semaphore(%run_scoped3A : memref<!tpu.dma_semaphore, #tpu.memory_space<semaphore_mem>>)
          %dma_wait3A_131 = arith.constant 0 : i32
          %dma_wait3A_132 = tpu.memref_slice %arg4[%select_n3A, %dma_wait3A_131] : memref<4x16384xi32, #tpu.memory_space<hbm>> -> memref<1x16384xi32, #tpu.memory_space<hbm>>
          %dma_wait3A_133 = tpu.memref_squeeze %dma_wait3A_132 : memref<1x16384xi32, #tpu.memory_space<hbm>> -> memref<16384xi32, #tpu.memory_space<hbm>>
          %dma_wait3A_134 = arith.constant 0 : i32
          %dma_wait3A_135 = tpu.memref_slice %arg4[%select_n3A, %dma_wait3A_134] : memref<4x16384xi32, #tpu.memory_space<hbm>> -> memref<1x16384xi32, #tpu.memory_space<hbm>>
          %dma_wait3A_136 = tpu.memref_squeeze %dma_wait3A_135 : memref<1x16384xi32, #tpu.memory_space<hbm>> -> memref<16384xi32, #tpu.memory_space<hbm>>
          tpu.wait_dma2 semaphore(%run_scoped3A : memref<!tpu.dma_semaphore, #tpu.memory_space<semaphore_mem>>) src(%dma_wait3A_136 : memref<16384xi32, #tpu.memory_space<hbm>>) dst(%arg9 : memref<16384xi32, #tpu.memory_space<vmem>>)
          tpu.yield
        }) : () -> ()
        "tpu.region"() ({
          %run_scoped3A = tpu.sem_alloc : memref<!tpu.dma_semaphore, #tpu.memory_space<semaphore_mem>>
          %dma_start3A_125 = arith.constant 0 : i32
          %dma_start3A_126 = tpu.memref_slice %arg5[%select_n3A, %dma_start3A_125] : memref<4x16384xf32, #tpu.memory_space<hbm>> -> memref<1x4096xf32, #tpu.memory_space<hbm>>
          %dma_start3A_127 = tpu.memref_squeeze %dma_start3A_126 : memref<1x4096xf32, #tpu.memory_space<hbm>> -> memref<4096xf32, #tpu.memory_space<hbm>>
          %dma_start3A_128 = arith.constant 0 : i32
          %dma_start3A_129 = tpu.memref_slice %arg5[%select_n3A, %dma_start3A_128] : memref<4x16384xf32, #tpu.memory_space<hbm>> -> memref<1x4096xf32, #tpu.memory_space<hbm>>
          %dma_start3A_130 = tpu.memref_squeeze %dma_start3A_129 : memref<1x4096xf32, #tpu.memory_space<hbm>> -> memref<4096xf32, #tpu.memory_space<hbm>>
          tpu.enqueue_dma source(%dma_start3A_130 : memref<4096xf32, #tpu.memory_space<hbm>>) target(%arg12 : memref<4096xf32, #tpu.memory_space<vmem>>) target_semaphore(%run_scoped3A : memref<!tpu.dma_semaphore, #tpu.memory_space<semaphore_mem>>)
          %dma_wait3A_131 = arith.constant 0 : i32
          %dma_wait3A_132 = tpu.memref_slice %arg5[%select_n3A, %dma_wait3A_131] : memref<4x16384xf32, #tpu.memory_space<hbm>> -> memref<1x4096xf32, #tpu.memory_space<hbm>>
          %dma_wait3A_133 = tpu.memref_squeeze %dma_wait3A_132 : memref<1x4096xf32, #tpu.memory_space<hbm>> -> memref<4096xf32, #tpu.memory_space<hbm>>
          %dma_wait3A_134 = arith.constant 0 : i32
          %dma_wait3A_135 = tpu.memref_slice %arg5[%select_n3A, %dma_wait3A_134] : memref<4x16384xf32, #tpu.memory_space<hbm>> -> memref<1x4096xf32, #tpu.memory_space<hbm>>
          %dma_wait3A_136 = tpu.memref_squeeze %dma_wait3A_135 : memref<1x4096xf32, #tpu.memory_space<hbm>> -> memref<4096xf32, #tpu.memory_space<hbm>>
          tpu.wait_dma2 semaphore(%run_scoped3A : memref<!tpu.dma_semaphore, #tpu.memory_space<semaphore_mem>>) src(%dma_wait3A_136 : memref<4096xf32, #tpu.memory_space<hbm>>) dst(%arg12 : memref<4096xf32, #tpu.memory_space<vmem>>)
          tpu.yield
        }) : () -> ()
        %scan3A_55 = arith.constant 0 : i32
        %scan3A_56 = arith.constant 0 : i32
        %scan3A_57 = arith.constant 256 : i32
        %scan3A_58 = arith.addi %scan3A_56, %scan3A_57 : i32
        %scan3A_59 = arith.constant 8 : i32
        scf.for %scan3A_125 = %scan3A_56 to %scan3A_58 step %scan3A_59  : i32 {
          %mul3A_126 = arith.constant 16 : i32
          %mul3A_127 = arith.muli %scan3A_125, %mul3A_126 : i32
          %add3A_128 = arith.constant 0 : i32
          %add3A_129 = arith.addi %add3A_128, %mul3A_127 : i32
          %get3A = arith.index_cast %add3A_129 : i32 to index
          %get3A_130 = tpu.vector_load %arg9[%get3A] {strides = array<i32>} : memref<16384xi32, #tpu.memory_space<vmem>>, vector<16xi32>,
          %mul3A_131 = arith.constant 16 : i32
          %mul3A_132 = arith.muli %scan3A_125, %mul3A_131 : i32
          %get3A_133 = arith.index_cast %mul3A_132 : i32 to index
          %get3A_134 = tpu.vector_load %arg12[%get3A_133] {strides = array<i32>} : memref<4096xf32, #tpu.memory_space<vmem>>, vector<16xf32>,
          %gather3A = tpu.vector_load_idx %arg13[%get3A_130] : memref<32xf32, #tpu.memory_space<vmem>>[vector<16xi32>], vector<16xf32>,
          %add3A_135 = arith.constant 1 : i32
          %add3A_136 = vector.broadcast %add3A_135 : i32 to vector<16xi32>
          %add3A_137 = arith.addi %get3A_130, %add3A_136 : vector<16xi32>
          %gather3A_138 = tpu.vector_load_idx %arg13[%add3A_137] : memref<32xf32, #tpu.memory_space<vmem>>[vector<16xi32>], vector<16xf32>,
          %sub3A_139 = arith.subf %gather3A_138, %gather3A : vector<16xf32>
          %mul3A_140 = arith.mulf %get3A_134, %sub3A_139 : vector<16xf32>
          %add3A_141 = arith.addf %gather3A, %mul3A_140 : vector<16xf32>
          %mul3A_142 = arith.constant 16 : i32
          %mul3A_143 = arith.muli %scan3A_125, %mul3A_142 : i32
          %swap3A = arith.index_cast %mul3A_143 : i32 to index
          %swap3A_144 = tpu.vector_load %arg10[%swap3A] {strides = array<i32>} : memref<4096xf32, #tpu.memory_space<vmem>>, vector<16xf32>,
          tpu.vector_store %arg10[%swap3A], %add3A_141 {strides = array<i32>} : memref<4096xf32, #tpu.memory_space<vmem>>, vector<16xf32>,
          %scan3A_145 = arith.constant 1 : i32
          %scan3A_146 = arith.addi %scan3A_125, %scan3A_145 : i32
          %mul3A_147 = arith.constant 16 : i32
          %mul3A_148 = arith.muli %scan3A_146, %mul3A_147 : i32
          %add3A_149 = arith.constant 0 : i32
          %add3A_150 = arith.addi %add3A_149, %mul3A_148 : i32
          %get3A_151 = arith.index_cast %add3A_150 : i32 to index
          %get3A_152 = tpu.vector_load %arg9[%get3A_151] {strides = array<i32>} : memref<16384xi32, #tpu.memory_space<vmem>>, vector<16xi32>,
          %mul3A_153 = arith.constant 16 : i32
          %mul3A_154 = arith.muli %scan3A_146, %mul3A_153 : i32
          %get3A_155 = arith.index_cast %mul3A_154 : i32 to index
          %get3A_156 = tpu.vector_load %arg12[%get3A_155] {strides = array<i32>} : memref<4096xf32, #tpu.memory_space<vmem>>, vector<16xf32>,
          %gather3A_157 = tpu.vector_load_idx %arg13[%get3A_152] : memref<32xf32, #tpu.memory_space<vmem>>[vector<16xi32>], vector<16xf32>,
          %add3A_158 = arith.constant 1 : i32
          %add3A_159 = vector.broadcast %add3A_158 : i32 to vector<16xi32>
          %add3A_160 = arith.addi %get3A_152, %add3A_159 : vector<16xi32>
          %gather3A_161 = tpu.vector_load_idx %arg13[%add3A_160] : memref<32xf32, #tpu.memory_space<vmem>>[vector<16xi32>], vector<16xf32>,
          %sub3A_162 = arith.subf %gather3A_161, %gather3A_157 : vector<16xf32>
          %mul3A_163 = arith.mulf %get3A_156, %sub3A_162 : vector<16xf32>
          %add3A_164 = arith.addf %gather3A_157, %mul3A_163 : vector<16xf32>
          %mul3A_165 = arith.constant 16 : i32
          %mul3A_166 = arith.muli %scan3A_146, %mul3A_165 : i32
          %swap3A_167 = arith.index_cast %mul3A_166 : i32 to index
          %swap3A_168 = tpu.vector_load %arg10[%swap3A_167] {strides = array<i32>} : memref<4096xf32, #tpu.memory_space<vmem>>, vector<16xf32>,
          tpu.vector_store %arg10[%swap3A_167], %add3A_164 {strides = array<i32>} : memref<4096xf32, #tpu.memory_space<vmem>>, vector<16xf32>,
          %scan3A_169 = arith.constant 2 : i32
          %scan3A_170 = arith.addi %scan3A_125, %scan3A_169 : i32
          %mul3A_171 = arith.constant 16 : i32
          %mul3A_172 = arith.muli %scan3A_170, %mul3A_171 : i32
          %add3A_173 = arith.constant 0 : i32
          %add3A_174 = arith.addi %add3A_173, %mul3A_172 : i32
          %get3A_175 = arith.index_cast %add3A_174 : i32 to index
          %get3A_176 = tpu.vector_load %arg9[%get3A_175] {strides = array<i32>} : memref<16384xi32, #tpu.memory_space<vmem>>, vector<16xi32>,
          %mul3A_177 = arith.constant 16 : i32
          %mul3A_178 = arith.muli %scan3A_170, %mul3A_177 : i32
          %get3A_179 = arith.index_cast %mul3A_178 : i32 to index
          %get3A_180 = tpu.vector_load %arg12[%get3A_179] {strides = array<i32>} : memref<4096xf32, #tpu.memory_space<vmem>>, vector<16xf32>,
          %gather3A_181 = tpu.vector_load_idx %arg13[%get3A_176] : memref<32xf32, #tpu.memory_space<vmem>>[vector<16xi32>], vector<16xf32>,
          %add3A_182 = arith.constant 1 : i32
          %add3A_183 = vector.broadcast %add3A_182 : i32 to vector<16xi32>
          %add3A_184 = arith.addi %get3A_176, %add3A_183 : vector<16xi32>
          %gather3A_185 = tpu.vector_load_idx %arg13[%add3A_184] : memref<32xf32, #tpu.memory_space<vmem>>[vector<16xi32>], vector<16xf32>,
          %sub3A_186 = arith.subf %gather3A_185, %gather3A_181 : vector<16xf32>
          %mul3A_187 = arith.mulf %get3A_180, %sub3A_186 : vector<16xf32>
          %add3A_188 = arith.addf %gather3A_181, %mul3A_187 : vector<16xf32>
          %mul3A_189 = arith.constant 16 : i32
          %mul3A_190 = arith.muli %scan3A_170, %mul3A_189 : i32
          %swap3A_191 = arith.index_cast %mul3A_190 : i32 to index
          %swap3A_192 = tpu.vector_load %arg10[%swap3A_191] {strides = array<i32>} : memref<4096xf32, #tpu.memory_space<vmem>>, vector<16xf32>,
          tpu.vector_store %arg10[%swap3A_191], %add3A_188 {strides = array<i32>} : memref<4096xf32, #tpu.memory_space<vmem>>, vector<16xf32>,
          %scan3A_193 = arith.constant 3 : i32
          %scan3A_194 = arith.addi %scan3A_125, %scan3A_193 : i32
          %mul3A_195 = arith.constant 16 : i32
          %mul3A_196 = arith.muli %scan3A_194, %mul3A_195 : i32
          %add3A_197 = arith.constant 0 : i32
          %add3A_198 = arith.addi %add3A_197, %mul3A_196 : i32
          %get3A_199 = arith.index_cast %add3A_198 : i32 to index
          %get3A_200 = tpu.vector_load %arg9[%get3A_199] {strides = array<i32>} : memref<16384xi32, #tpu.memory_space<vmem>>, vector<16xi32>,
          %mul3A_201 = arith.constant 16 : i32
          %mul3A_202 = arith.muli %scan3A_194, %mul3A_201 : i32
          %get3A_203 = arith.index_cast %mul3A_202 : i32 to index
          %get3A_204 = tpu.vector_load %arg12[%get3A_203] {strides = array<i32>} : memref<4096xf32, #tpu.memory_space<vmem>>, vector<16xf32>,
          %gather3A_205 = tpu.vector_load_idx %arg13[%get3A_200] : memref<32xf32, #tpu.memory_space<vmem>>[vector<16xi32>], vector<16xf32>,
          %add3A_206 = arith.constant 1 : i32
          %add3A_207 = vector.broadcast %add3A_206 : i32 to vector<16xi32>
          %add3A_208 = arith.addi %get3A_200, %add3A_207 : vector<16xi32>
          %gather3A_209 = tpu.vector_load_idx %arg13[%add3A_208] : memref<32xf32, #tpu.memory_space<vmem>>[vector<16xi32>], vector<16xf32>,
          %sub3A_210 = arith.subf %gather3A_209, %gather3A_205 : vector<16xf32>
          %mul3A_211 = arith.mulf %get3A_204, %sub3A_210 : vector<16xf32>
          %add3A_212 = arith.addf %gather3A_205, %mul3A_211 : vector<16xf32>
          %mul3A_213 = arith.constant 16 : i32
          %mul3A_214 = arith.muli %scan3A_194, %mul3A_213 : i32
          %swap3A_215 = arith.index_cast %mul3A_214 : i32 to index
          %swap3A_216 = tpu.vector_load %arg10[%swap3A_215] {strides = array<i32>} : memref<4096xf32, #tpu.memory_space<vmem>>, vector<16xf32>,
          tpu.vector_store %arg10[%swap3A_215], %add3A_212 {strides = array<i32>} : memref<4096xf32, #tpu.memory_space<vmem>>, vector<16xf32>,
          %scan3A_217 = arith.constant 4 : i32
          %scan3A_218 = arith.addi %scan3A_125, %scan3A_217 : i32
          %mul3A_219 = arith.constant 16 : i32
          %mul3A_220 = arith.muli %scan3A_218, %mul3A_219 : i32
          %add3A_221 = arith.constant 0 : i32
          %add3A_222 = arith.addi %add3A_221, %mul3A_220 : i32
          %get3A_223 = arith.index_cast %add3A_222 : i32 to index
          %get3A_224 = tpu.vector_load %arg9[%get3A_223] {strides = array<i32>} : memref<16384xi32, #tpu.memory_space<vmem>>, vector<16xi32>,
          %mul3A_225 = arith.constant 16 : i32
          %mul3A_226 = arith.muli %scan3A_218, %mul3A_225 : i32
          %get3A_227 = arith.index_cast %mul3A_226 : i32 to index
          %get3A_228 = tpu.vector_load %arg12[%get3A_227] {strides = array<i32>} : memref<4096xf32, #tpu.memory_space<vmem>>, vector<16xf32>,
          %gather3A_229 = tpu.vector_load_idx %arg13[%get3A_224] : memref<32xf32, #tpu.memory_space<vmem>>[vector<16xi32>], vector<16xf32>,
          %add3A_230 = arith.constant 1 : i32
          %add3A_231 = vector.broadcast %add3A_230 : i32 to vector<16xi32>
          %add3A_232 = arith.addi %get3A_224, %add3A_231 : vector<16xi32>
          %gather3A_233 = tpu.vector_load_idx %arg13[%add3A_232] : memref<32xf32, #tpu.memory_space<vmem>>[vector<16xi32>], vector<16xf32>,
          %sub3A_234 = arith.subf %gather3A_233, %gather3A_229 : vector<16xf32>
          %mul3A_235 = arith.mulf %get3A_228, %sub3A_234 : vector<16xf32>
          %add3A_236 = arith.addf %gather3A_229, %mul3A_235 : vector<16xf32>
          %mul3A_237 = arith.constant 16 : i32
          %mul3A_238 = arith.muli %scan3A_218, %mul3A_237 : i32
          %swap3A_239 = arith.index_cast %mul3A_238 : i32 to index
          %swap3A_240 = tpu.vector_load %arg10[%swap3A_239] {strides = array<i32>} : memref<4096xf32, #tpu.memory_space<vmem>>, vector<16xf32>,
          tpu.vector_store %arg10[%swap3A_239], %add3A_236 {strides = array<i32>} : memref<4096xf32, #tpu.memory_space<vmem>>, vector<16xf32>,
          %scan3A_241 = arith.constant 5 : i32
          %scan3A_242 = arith.addi %scan3A_125, %scan3A_241 : i32
          %mul3A_243 = arith.constant 16 : i32
          %mul3A_244 = arith.muli %scan3A_242, %mul3A_243 : i32
          %add3A_245 = arith.constant 0 : i32
          %add3A_246 = arith.addi %add3A_245, %mul3A_244 : i32
          %get3A_247 = arith.index_cast %add3A_246 : i32 to index
          %get3A_248 = tpu.vector_load %arg9[%get3A_247] {strides = array<i32>} : memref<16384xi32, #tpu.memory_space<vmem>>, vector<16xi32>,
          %mul3A_249 = arith.constant 16 : i32
          %mul3A_250 = arith.muli %scan3A_242, %mul3A_249 : i32
          %get3A_251 = arith.index_cast %mul3A_250 : i32 to index
          %get3A_252 = tpu.vector_load %arg12[%get3A_251] {strides = array<i32>} : memref<4096xf32, #tpu.memory_space<vmem>>, vector<16xf32>,
          %gather3A_253 = tpu.vector_load_idx %arg13[%get3A_248] : memref<32xf32, #tpu.memory_space<vmem>>[vector<16xi32>], vector<16xf32>,
          %add3A_254 = arith.constant 1 : i32
          %add3A_255 = vector.broadcast %add3A_254 : i32 to vector<16xi32>
          %add3A_256 = arith.addi %get3A_248, %add3A_255 : vector<16xi32>
          %gather3A_257 = tpu.vector_load_idx %arg13[%add3A_256] : memref<32xf32, #tpu.memory_space<vmem>>[vector<16xi32>], vector<16xf32>,
          %sub3A_258 = arith.subf %gather3A_257, %gather3A_253 : vector<16xf32>
          %mul3A_259 = arith.mulf %get3A_252, %sub3A_258 : vector<16xf32>
          %add3A_260 = arith.addf %gather3A_253, %mul3A_259 : vector<16xf32>
          %mul3A_261 = arith.constant 16 : i32
          %mul3A_262 = arith.muli %scan3A_242, %mul3A_261 : i32
          %swap3A_263 = arith.index_cast %mul3A_262 : i32 to index
          %swap3A_264 = tpu.vector_load %arg10[%swap3A_263] {strides = array<i32>} : memref<4096xf32, #tpu.memory_space<vmem>>, vector<16xf32>,
          tpu.vector_store %arg10[%swap3A_263], %add3A_260 {strides = array<i32>} : memref<4096xf32, #tpu.memory_space<vmem>>, vector<16xf32>,
          %scan3A_265 = arith.constant 6 : i32
          %scan3A_266 = arith.addi %scan3A_125, %scan3A_265 : i32
          %mul3A_267 = arith.constant 16 : i32
          %mul3A_268 = arith.muli %scan3A_266, %mul3A_267 : i32
          %add3A_269 = arith.constant 0 : i32
          %add3A_270 = arith.addi %add3A_269, %mul3A_268 : i32
          %get3A_271 = arith.index_cast %add3A_270 : i32 to index
          %get3A_272 = tpu.vector_load %arg9[%get3A_271] {strides = array<i32>} : memref<16384xi32, #tpu.memory_space<vmem>>, vector<16xi32>,
          %mul3A_273 = arith.constant 16 : i32
          %mul3A_274 = arith.muli %scan3A_266, %mul3A_273 : i32
          %get3A_275 = arith.index_cast %mul3A_274 : i32 to index
          %get3A_276 = tpu.vector_load %arg12[%get3A_275] {strides = array<i32>} : memref<4096xf32, #tpu.memory_space<vmem>>, vector<16xf32>,
          %gather3A_277 = tpu.vector_load_idx %arg13[%get3A_272] : memref<32xf32, #tpu.memory_space<vmem>>[vector<16xi32>], vector<16xf32>,
          %add3A_278 = arith.constant 1 : i32
          %add3A_279 = vector.broadcast %add3A_278 : i32 to vector<16xi32>
          %add3A_280 = arith.addi %get3A_272, %add3A_279 : vector<16xi32>
          %gather3A_281 = tpu.vector_load_idx %arg13[%add3A_280] : memref<32xf32, #tpu.memory_space<vmem>>[vector<16xi32>], vector<16xf32>,
          %sub3A_282 = arith.subf %gather3A_281, %gather3A_277 : vector<16xf32>
          %mul3A_283 = arith.mulf %get3A_276, %sub3A_282 : vector<16xf32>
          %add3A_284 = arith.addf %gather3A_277, %mul3A_283 : vector<16xf32>
          %mul3A_285 = arith.constant 16 : i32
          %mul3A_286 = arith.muli %scan3A_266, %mul3A_285 : i32
          %swap3A_287 = arith.index_cast %mul3A_286 : i32 to index
          %swap3A_288 = tpu.vector_load %arg10[%swap3A_287] {strides = array<i32>} : memref<4096xf32, #tpu.memory_space<vmem>>, vector<16xf32>,
          tpu.vector_store %arg10[%swap3A_287], %add3A_284 {strides = array<i32>} : memref<4096xf32, #tpu.memory_space<vmem>>, vector<16xf32>,
          %scan3A_289 = arith.constant 7 : i32
          %scan3A_290 = arith.addi %scan3A_125, %scan3A_289 : i32
          %mul3A_291 = arith.constant 16 : i32
          %mul3A_292 = arith.muli %scan3A_290, %mul3A_291 : i32
          %add3A_293 = arith.constant 0 : i32
          %add3A_294 = arith.addi %add3A_293, %mul3A_292 : i32
          %get3A_295 = arith.index_cast %add3A_294 : i32 to index
          %get3A_296 = tpu.vector_load %arg9[%get3A_295] {strides = array<i32>} : memref<16384xi32, #tpu.memory_space<vmem>>, vector<16xi32>,
          %mul3A_297 = arith.constant 16 : i32
          %mul3A_298 = arith.muli %scan3A_290, %mul3A_297 : i32
          %get3A_299 = arith.index_cast %mul3A_298 : i32 to index
          %get3A_300 = tpu.vector_load %arg12[%get3A_299] {strides = array<i32>} : memref<4096xf32, #tpu.memory_space<vmem>>, vector<16xf32>,
          %gather3A_301 = tpu.vector_load_idx %arg13[%get3A_296] : memref<32xf32, #tpu.memory_space<vmem>>[vector<16xi32>], vector<16xf32>,
          %add3A_302 = arith.constant 1 : i32
          %add3A_303 = vector.broadcast %add3A_302 : i32 to vector<16xi32>
          %add3A_304 = arith.addi %get3A_296, %add3A_303 : vector<16xi32>
          %gather3A_305 = tpu.vector_load_idx %arg13[%add3A_304] : memref<32xf32, #tpu.memory_space<vmem>>[vector<16xi32>], vector<16xf32>,
          %sub3A_306 = arith.subf %gather3A_305, %gather3A_301 : vector<16xf32>
          %mul3A_307 = arith.mulf %get3A_300, %sub3A_306 : vector<16xf32>
          %add3A_308 = arith.addf %gather3A_301, %mul3A_307 : vector<16xf32>
          %mul3A_309 = arith.constant 16 : i32
          %mul3A_310 = arith.muli %scan3A_290, %mul3A_309 : i32
          %swap3A_311 = arith.index_cast %mul3A_310 : i32 to index
          %swap3A_312 = tpu.vector_load %arg10[%swap3A_311] {strides = array<i32>} : memref<4096xf32, #tpu.memory_space<vmem>>, vector<16xf32>,
          tpu.vector_store %arg10[%swap3A_311], %add3A_308 {strides = array<i32>} : memref<4096xf32, #tpu.memory_space<vmem>>, vector<16xf32>,
        }
        %scan3A_60 = arith.constant 256 : i32
        %dma_start3A = arith.constant 0 : i32
        %dma_start3A_61 = tpu.memref_slice %arg7[%select_n3A, %select_n3A_41, %dma_start3A] : memref<30x32x16384xf32, #tpu.memory_space<hbm>> -> memref<1x1x4096xf32, #tpu.memory_space<hbm>>
        %dma_start3A_62 = tpu.memref_squeeze %dma_start3A_61 : memref<1x1x4096xf32, #tpu.memory_space<hbm>> -> memref<4096xf32, #tpu.memory_space<hbm>>
        %dma_start3A_63 = arith.constant 0 : i32
        %dma_start3A_64 = tpu.memref_slice %arg7[%select_n3A, %select_n3A_41, %dma_start3A_63] : memref<30x32x16384xf32, #tpu.memory_space<hbm>> -> memref<1x1x4096xf32, #tpu.memory_space<hbm>>
        %dma_start3A_65 = tpu.memref_squeeze %dma_start3A_64 : memref<1x1x4096xf32, #tpu.memory_space<hbm>> -> memref<4096xf32, #tpu.memory_space<hbm>>
        tpu.enqueue_dma source(%arg10 : memref<4096xf32, #tpu.memory_space<vmem>>) target(%dma_start3A_65 : memref<4096xf32, #tpu.memory_space<hbm>>) target_semaphore(%arg14 : memref<!tpu.dma_semaphore, #tpu.memory_space<semaphore_mem>>)
        "tpu.region"() ({
          %run_scoped3A = tpu.sem_alloc : memref<!tpu.dma_semaphore, #tpu.memory_space<semaphore_mem>>
          %dma_start3A_125 = arith.constant 4096 : i32
          %dma_start3A_126 = tpu.memref_slice %arg5[%select_n3A, %dma_start3A_125] : memref<4x16384xf32, #tpu.memory_space<hbm>> -> memref<1x4096xf32, #tpu.memory_space<hbm>>
          %dma_start3A_127 = tpu.memref_squeeze %dma_start3A_126 : memref<1x4096xf32, #tpu.memory_space<hbm>> -> memref<4096xf32, #tpu.memory_space<hbm>>
          %dma_start3A_128 = arith.constant 4096 : i32
          %dma_start3A_129 = tpu.memref_slice %arg5[%select_n3A, %dma_start3A_128] : memref<4x16384xf32, #tpu.memory_space<hbm>> -> memref<1x4096xf32, #tpu.memory_space<hbm>>
          %dma_start3A_130 = tpu.memref_squeeze %dma_start3A_129 : memref<1x4096xf32, #tpu.memory_space<hbm>> -> memref<4096xf32, #tpu.memory_space<hbm>>
          tpu.enqueue_dma source(%dma_start3A_130 : memref<4096xf32, #tpu.memory_space<hbm>>) target(%arg12 : memref<4096xf32, #tpu.memory_space<vmem>>) target_semaphore(%run_scoped3A : memref<!tpu.dma_semaphore, #tpu.memory_space<semaphore_mem>>)
          %dma_wait3A_131 = arith.constant 4096 : i32
          %dma_wait3A_132 = tpu.memref_slice %arg5[%select_n3A, %dma_wait3A_131] : memref<4x16384xf32, #tpu.memory_space<hbm>> -> memref<1x4096xf32, #tpu.memory_space<hbm>>
          %dma_wait3A_133 = tpu.memref_squeeze %dma_wait3A_132 : memref<1x4096xf32, #tpu.memory_space<hbm>> -> memref<4096xf32, #tpu.memory_space<hbm>>
          %dma_wait3A_134 = arith.constant 4096 : i32
          %dma_wait3A_135 = tpu.memref_slice %arg5[%select_n3A, %dma_wait3A_134] : memref<4x16384xf32, #tpu.memory_space<hbm>> -> memref<1x4096xf32, #tpu.memory_space<hbm>>
          %dma_wait3A_136 = tpu.memref_squeeze %dma_wait3A_135 : memref<1x4096xf32, #tpu.memory_space<hbm>> -> memref<4096xf32, #tpu.memory_space<hbm>>
          tpu.wait_dma2 semaphore(%run_scoped3A : memref<!tpu.dma_semaphore, #tpu.memory_space<semaphore_mem>>) src(%dma_wait3A_136 : memref<4096xf32, #tpu.memory_space<hbm>>) dst(%arg12 : memref<4096xf32, #tpu.memory_space<vmem>>)
          tpu.yield
        }) : () -> ()
        %scan3A_66 = arith.constant 0 : i32
        %scan3A_67 = arith.constant 0 : i32
        %scan3A_68 = arith.constant 256 : i32
        %scan3A_69 = arith.addi %scan3A_67, %scan3A_68 : i32
        %scan3A_70 = arith.constant 8 : i32
        scf.for %scan3A_125 = %scan3A_67 to %scan3A_69 step %scan3A_70  : i32 {
          %mul3A_126 = arith.constant 16 : i32
          %mul3A_127 = arith.muli %scan3A_125, %mul3A_126 : i32
          %add3A_128 = arith.constant 4096 : i32
          %add3A_129 = arith.addi %add3A_128, %mul3A_127 : i32
          %get3A = arith.index_cast %add3A_129 : i32 to index
          %get3A_130 = tpu.vector_load %arg9[%get3A] {strides = array<i32>} : memref<16384xi32, #tpu.memory_space<vmem>>, vector<16xi32>,
          %mul3A_131 = arith.constant 16 : i32
          %mul3A_132 = arith.muli %scan3A_125, %mul3A_131 : i32
          %get3A_133 = arith.index_cast %mul3A_132 : i32 to index
          %get3A_134 = tpu.vector_load %arg12[%get3A_133] {strides = array<i32>} : memref<4096xf32, #tpu.memory_space<vmem>>, vector<16xf32>,
          %gather3A = tpu.vector_load_idx %arg13[%get3A_130] : memref<32xf32, #tpu.memory_space<vmem>>[vector<16xi32>], vector<16xf32>,
          %add3A_135 = arith.constant 1 : i32
          %add3A_136 = vector.broadcast %add3A_135 : i32 to vector<16xi32>
          %add3A_137 = arith.addi %get3A_130, %add3A_136 : vector<16xi32>
          %gather3A_138 = tpu.vector_load_idx %arg13[%add3A_137] : memref<32xf32, #tpu.memory_space<vmem>>[vector<16xi32>], vector<16xf32>,
          %sub3A_139 = arith.subf %gather3A_138, %gather3A : vector<16xf32>
          %mul3A_140 = arith.mulf %get3A_134, %sub3A_139 : vector<16xf32>
          %add3A_141 = arith.addf %gather3A, %mul3A_140 : vector<16xf32>
          %mul3A_142 = arith.constant 16 : i32
          %mul3A_143 = arith.muli %scan3A_125, %mul3A_142 : i32
          %swap3A = arith.index_cast %mul3A_143 : i32 to index
          %swap3A_144 = tpu.vector_load %arg11[%swap3A] {strides = array<i32>} : memref<4096xf32, #tpu.memory_space<vmem>>, vector<16xf32>,
          tpu.vector_store %arg11[%swap3A], %add3A_141 {strides = array<i32>} : memref<4096xf32, #tpu.memory_space<vmem>>, vector<16xf32>,
          %scan3A_145 = arith.constant 1 : i32
          %scan3A_146 = arith.addi %scan3A_125, %scan3A_145 : i32
          %mul3A_147 = arith.constant 16 : i32
          %mul3A_148 = arith.muli %scan3A_146, %mul3A_147 : i32
          %add3A_149 = arith.constant 4096 : i32
          %add3A_150 = arith.addi %add3A_149, %mul3A_148 : i32
          %get3A_151 = arith.index_cast %add3A_150 : i32 to index
          %get3A_152 = tpu.vector_load %arg9[%get3A_151] {strides = array<i32>} : memref<16384xi32, #tpu.memory_space<vmem>>, vector<16xi32>,
          %mul3A_153 = arith.constant 16 : i32
          %mul3A_154 = arith.muli %scan3A_146, %mul3A_153 : i32
          %get3A_155 = arith.index_cast %mul3A_154 : i32 to index
          %get3A_156 = tpu.vector_load %arg12[%get3A_155] {strides = array<i32>} : memref<4096xf32, #tpu.memory_space<vmem>>, vector<16xf32>,
          %gather3A_157 = tpu.vector_load_idx %arg13[%get3A_152] : memref<32xf32, #tpu.memory_space<vmem>>[vector<16xi32>], vector<16xf32>,
          %add3A_158 = arith.constant 1 : i32
          %add3A_159 = vector.broadcast %add3A_158 : i32 to vector<16xi32>
          %add3A_160 = arith.addi %get3A_152, %add3A_159 : vector<16xi32>
          %gather3A_161 = tpu.vector_load_idx %arg13[%add3A_160] : memref<32xf32, #tpu.memory_space<vmem>>[vector<16xi32>], vector<16xf32>,
          %sub3A_162 = arith.subf %gather3A_161, %gather3A_157 : vector<16xf32>
          %mul3A_163 = arith.mulf %get3A_156, %sub3A_162 : vector<16xf32>
          %add3A_164 = arith.addf %gather3A_157, %mul3A_163 : vector<16xf32>
          %mul3A_165 = arith.constant 16 : i32
          %mul3A_166 = arith.muli %scan3A_146, %mul3A_165 : i32
          %swap3A_167 = arith.index_cast %mul3A_166 : i32 to index
          %swap3A_168 = tpu.vector_load %arg11[%swap3A_167] {strides = array<i32>} : memref<4096xf32, #tpu.memory_space<vmem>>, vector<16xf32>,
          tpu.vector_store %arg11[%swap3A_167], %add3A_164 {strides = array<i32>} : memref<4096xf32, #tpu.memory_space<vmem>>, vector<16xf32>,
          %scan3A_169 = arith.constant 2 : i32
          %scan3A_170 = arith.addi %scan3A_125, %scan3A_169 : i32
          %mul3A_171 = arith.constant 16 : i32
          %mul3A_172 = arith.muli %scan3A_170, %mul3A_171 : i32
          %add3A_173 = arith.constant 4096 : i32
          %add3A_174 = arith.addi %add3A_173, %mul3A_172 : i32
          %get3A_175 = arith.index_cast %add3A_174 : i32 to index
          %get3A_176 = tpu.vector_load %arg9[%get3A_175] {strides = array<i32>} : memref<16384xi32, #tpu.memory_space<vmem>>, vector<16xi32>,
          %mul3A_177 = arith.constant 16 : i32
          %mul3A_178 = arith.muli %scan3A_170, %mul3A_177 : i32
          %get3A_179 = arith.index_cast %mul3A_178 : i32 to index
          %get3A_180 = tpu.vector_load %arg12[%get3A_179] {strides = array<i32>} : memref<4096xf32, #tpu.memory_space<vmem>>, vector<16xf32>,
          %gather3A_181 = tpu.vector_load_idx %arg13[%get3A_176] : memref<32xf32, #tpu.memory_space<vmem>>[vector<16xi32>], vector<16xf32>,
          %add3A_182 = arith.constant 1 : i32
          %add3A_183 = vector.broadcast %add3A_182 : i32 to vector<16xi32>
          %add3A_184 = arith.addi %get3A_176, %add3A_183 : vector<16xi32>
          %gather3A_185 = tpu.vector_load_idx %arg13[%add3A_184] : memref<32xf32, #tpu.memory_space<vmem>>[vector<16xi32>], vector<16xf32>,
          %sub3A_186 = arith.subf %gather3A_185, %gather3A_181 : vector<16xf32>
          %mul3A_187 = arith.mulf %get3A_180, %sub3A_186 : vector<16xf32>
          %add3A_188 = arith.addf %gather3A_181, %mul3A_187 : vector<16xf32>
          %mul3A_189 = arith.constant 16 : i32
          %mul3A_190 = arith.muli %scan3A_170, %mul3A_189 : i32
          %swap3A_191 = arith.index_cast %mul3A_190 : i32 to index
          %swap3A_192 = tpu.vector_load %arg11[%swap3A_191] {strides = array<i32>} : memref<4096xf32, #tpu.memory_space<vmem>>, vector<16xf32>,
          tpu.vector_store %arg11[%swap3A_191], %add3A_188 {strides = array<i32>} : memref<4096xf32, #tpu.memory_space<vmem>>, vector<16xf32>,
          %scan3A_193 = arith.constant 3 : i32
          %scan3A_194 = arith.addi %scan3A_125, %scan3A_193 : i32
          %mul3A_195 = arith.constant 16 : i32
          %mul3A_196 = arith.muli %scan3A_194, %mul3A_195 : i32
          %add3A_197 = arith.constant 4096 : i32
          %add3A_198 = arith.addi %add3A_197, %mul3A_196 : i32
          %get3A_199 = arith.index_cast %add3A_198 : i32 to index
          %get3A_200 = tpu.vector_load %arg9[%get3A_199] {strides = array<i32>} : memref<16384xi32, #tpu.memory_space<vmem>>, vector<16xi32>,
          %mul3A_201 = arith.constant 16 : i32
          %mul3A_202 = arith.muli %scan3A_194, %mul3A_201 : i32
          %get3A_203 = arith.index_cast %mul3A_202 : i32 to index
          %get3A_204 = tpu.vector_load %arg12[%get3A_203] {strides = array<i32>} : memref<4096xf32, #tpu.memory_space<vmem>>, vector<16xf32>,
          %gather3A_205 = tpu.vector_load_idx %arg13[%get3A_200] : memref<32xf32, #tpu.memory_space<vmem>>[vector<16xi32>], vector<16xf32>,
          %add3A_206 = arith.constant 1 : i32
          %add3A_207 = vector.broadcast %add3A_206 : i32 to vector<16xi32>
          %add3A_208 = arith.addi %get3A_200, %add3A_207 : vector<16xi32>
          %gather3A_209 = tpu.vector_load_idx %arg13[%add3A_208] : memref<32xf32, #tpu.memory_space<vmem>>[vector<16xi32>], vector<16xf32>,
          %sub3A_210 = arith.subf %gather3A_209, %gather3A_205 : vector<16xf32>
          %mul3A_211 = arith.mulf %get3A_204, %sub3A_210 : vector<16xf32>
          %add3A_212 = arith.addf %gather3A_205, %mul3A_211 : vector<16xf32>
          %mul3A_213 = arith.constant 16 : i32
          %mul3A_214 = arith.muli %scan3A_194, %mul3A_213 : i32
          %swap3A_215 = arith.index_cast %mul3A_214 : i32 to index
          %swap3A_216 = tpu.vector_load %arg11[%swap3A_215] {strides = array<i32>} : memref<4096xf32, #tpu.memory_space<vmem>>, vector<16xf32>,
          tpu.vector_store %arg11[%swap3A_215], %add3A_212 {strides = array<i32>} : memref<4096xf32, #tpu.memory_space<vmem>>, vector<16xf32>,
          %scan3A_217 = arith.constant 4 : i32
          %scan3A_218 = arith.addi %scan3A_125, %scan3A_217 : i32
          %mul3A_219 = arith.constant 16 : i32
          %mul3A_220 = arith.muli %scan3A_218, %mul3A_219 : i32
          %add3A_221 = arith.constant 4096 : i32
          %add3A_222 = arith.addi %add3A_221, %mul3A_220 : i32
          %get3A_223 = arith.index_cast %add3A_222 : i32 to index
          %get3A_224 = tpu.vector_load %arg9[%get3A_223] {strides = array<i32>} : memref<16384xi32, #tpu.memory_space<vmem>>, vector<16xi32>,
          %mul3A_225 = arith.constant 16 : i32
          %mul3A_226 = arith.muli %scan3A_218, %mul3A_225 : i32
          %get3A_227 = arith.index_cast %mul3A_226 : i32 to index
          %get3A_228 = tpu.vector_load %arg12[%get3A_227] {strides = array<i32>} : memref<4096xf32, #tpu.memory_space<vmem>>, vector<16xf32>,
          %gather3A_229 = tpu.vector_load_idx %arg13[%get3A_224] : memref<32xf32, #tpu.memory_space<vmem>>[vector<16xi32>], vector<16xf32>,
          %add3A_230 = arith.constant 1 : i32
          %add3A_231 = vector.broadcast %add3A_230 : i32 to vector<16xi32>
          %add3A_232 = arith.addi %get3A_224, %add3A_231 : vector<16xi32>
          %gather3A_233 = tpu.vector_load_idx %arg13[%add3A_232] : memref<32xf32, #tpu.memory_space<vmem>>[vector<16xi32>], vector<16xf32>,
          %sub3A_234 = arith.subf %gather3A_233, %gather3A_229 : vector<16xf32>
          %mul3A_235 = arith.mulf %get3A_228, %sub3A_234 : vector<16xf32>
          %add3A_236 = arith.addf %gather3A_229, %mul3A_235 : vector<16xf32>
          %mul3A_237 = arith.constant 16 : i32
          %mul3A_238 = arith.muli %scan3A_218, %mul3A_237 : i32
          %swap3A_239 = arith.index_cast %mul3A_238 : i32 to index
          %swap3A_240 = tpu.vector_load %arg11[%swap3A_239] {strides = array<i32>} : memref<4096xf32, #tpu.memory_space<vmem>>, vector<16xf32>,
          tpu.vector_store %arg11[%swap3A_239], %add3A_236 {strides = array<i32>} : memref<4096xf32, #tpu.memory_space<vmem>>, vector<16xf32>,
          %scan3A_241 = arith.constant 5 : i32
          %scan3A_242 = arith.addi %scan3A_125, %scan3A_241 : i32
          %mul3A_243 = arith.constant 16 : i32
          %mul3A_244 = arith.muli %scan3A_242, %mul3A_243 : i32
          %add3A_245 = arith.constant 4096 : i32
          %add3A_246 = arith.addi %add3A_245, %mul3A_244 : i32
          %get3A_247 = arith.index_cast %add3A_246 : i32 to index
          %get3A_248 = tpu.vector_load %arg9[%get3A_247] {strides = array<i32>} : memref<16384xi32, #tpu.memory_space<vmem>>, vector<16xi32>,
          %mul3A_249 = arith.constant 16 : i32
          %mul3A_250 = arith.muli %scan3A_242, %mul3A_249 : i32
          %get3A_251 = arith.index_cast %mul3A_250 : i32 to index
          %get3A_252 = tpu.vector_load %arg12[%get3A_251] {strides = array<i32>} : memref<4096xf32, #tpu.memory_space<vmem>>, vector<16xf32>,
          %gather3A_253 = tpu.vector_load_idx %arg13[%get3A_248] : memref<32xf32, #tpu.memory_space<vmem>>[vector<16xi32>], vector<16xf32>,
          %add3A_254 = arith.constant 1 : i32
          %add3A_255 = vector.broadcast %add3A_254 : i32 to vector<16xi32>
          %add3A_256 = arith.addi %get3A_248, %add3A_255 : vector<16xi32>
          %gather3A_257 = tpu.vector_load_idx %arg13[%add3A_256] : memref<32xf32, #tpu.memory_space<vmem>>[vector<16xi32>], vector<16xf32>,
          %sub3A_258 = arith.subf %gather3A_257, %gather3A_253 : vector<16xf32>
          %mul3A_259 = arith.mulf %get3A_252, %sub3A_258 : vector<16xf32>
          %add3A_260 = arith.addf %gather3A_253, %mul3A_259 : vector<16xf32>
          %mul3A_261 = arith.constant 16 : i32
          %mul3A_262 = arith.muli %scan3A_242, %mul3A_261 : i32
          %swap3A_263 = arith.index_cast %mul3A_262 : i32 to index
          %swap3A_264 = tpu.vector_load %arg11[%swap3A_263] {strides = array<i32>} : memref<4096xf32, #tpu.memory_space<vmem>>, vector<16xf32>,
          tpu.vector_store %arg11[%swap3A_263], %add3A_260 {strides = array<i32>} : memref<4096xf32, #tpu.memory_space<vmem>>, vector<16xf32>,
          %scan3A_265 = arith.constant 6 : i32
          %scan3A_266 = arith.addi %scan3A_125, %scan3A_265 : i32
          %mul3A_267 = arith.constant 16 : i32
          %mul3A_268 = arith.muli %scan3A_266, %mul3A_267 : i32
          %add3A_269 = arith.constant 4096 : i32
          %add3A_270 = arith.addi %add3A_269, %mul3A_268 : i32
          %get3A_271 = arith.index_cast %add3A_270 : i32 to index
          %get3A_272 = tpu.vector_load %arg9[%get3A_271] {strides = array<i32>} : memref<16384xi32, #tpu.memory_space<vmem>>, vector<16xi32>,
          %mul3A_273 = arith.constant 16 : i32
          %mul3A_274 = arith.muli %scan3A_266, %mul3A_273 : i32
          %get3A_275 = arith.index_cast %mul3A_274 : i32 to index
          %get3A_276 = tpu.vector_load %arg12[%get3A_275] {strides = array<i32>} : memref<4096xf32, #tpu.memory_space<vmem>>, vector<16xf32>,
          %gather3A_277 = tpu.vector_load_idx %arg13[%get3A_272] : memref<32xf32, #tpu.memory_space<vmem>>[vector<16xi32>], vector<16xf32>,
          %add3A_278 = arith.constant 1 : i32
          %add3A_279 = vector.broadcast %add3A_278 : i32 to vector<16xi32>
          %add3A_280 = arith.addi %get3A_272, %add3A_279 : vector<16xi32>
          %gather3A_281 = tpu.vector_load_idx %arg13[%add3A_280] : memref<32xf32, #tpu.memory_space<vmem>>[vector<16xi32>], vector<16xf32>,
          %sub3A_282 = arith.subf %gather3A_281, %gather3A_277 : vector<16xf32>
          %mul3A_283 = arith.mulf %get3A_276, %sub3A_282 : vector<16xf32>
          %add3A_284 = arith.addf %gather3A_277, %mul3A_283 : vector<16xf32>
          %mul3A_285 = arith.constant 16 : i32
          %mul3A_286 = arith.muli %scan3A_266, %mul3A_285 : i32
          %swap3A_287 = arith.index_cast %mul3A_286 : i32 to index
          %swap3A_288 = tpu.vector_load %arg11[%swap3A_287] {strides = array<i32>} : memref<4096xf32, #tpu.memory_space<vmem>>, vector<16xf32>,
          tpu.vector_store %arg11[%swap3A_287], %add3A_284 {strides = array<i32>} : memref<4096xf32, #tpu.memory_space<vmem>>, vector<16xf32>,
          %scan3A_289 = arith.constant 7 : i32
          %scan3A_290 = arith.addi %scan3A_125, %scan3A_289 : i32
          %mul3A_291 = arith.constant 16 : i32
          %mul3A_292 = arith.muli %scan3A_290, %mul3A_291 : i32
          %add3A_293 = arith.constant 4096 : i32
          %add3A_294 = arith.addi %add3A_293, %mul3A_292 : i32
          %get3A_295 = arith.index_cast %add3A_294 : i32 to index
          %get3A_296 = tpu.vector_load %arg9[%get3A_295] {strides = array<i32>} : memref<16384xi32, #tpu.memory_space<vmem>>, vector<16xi32>,
          %mul3A_297 = arith.constant 16 : i32
          %mul3A_298 = arith.muli %scan3A_290, %mul3A_297 : i32
          %get3A_299 = arith.index_cast %mul3A_298 : i32 to index
          %get3A_300 = tpu.vector_load %arg12[%get3A_299] {strides = array<i32>} : memref<4096xf32, #tpu.memory_space<vmem>>, vector<16xf32>,
          %gather3A_301 = tpu.vector_load_idx %arg13[%get3A_296] : memref<32xf32, #tpu.memory_space<vmem>>[vector<16xi32>], vector<16xf32>,
          %add3A_302 = arith.constant 1 : i32
          %add3A_303 = vector.broadcast %add3A_302 : i32 to vector<16xi32>
          %add3A_304 = arith.addi %get3A_296, %add3A_303 : vector<16xi32>
          %gather3A_305 = tpu.vector_load_idx %arg13[%add3A_304] : memref<32xf32, #tpu.memory_space<vmem>>[vector<16xi32>], vector<16xf32>,
          %sub3A_306 = arith.subf %gather3A_305, %gather3A_301 : vector<16xf32>
          %mul3A_307 = arith.mulf %get3A_300, %sub3A_306 : vector<16xf32>
          %add3A_308 = arith.addf %gather3A_301, %mul3A_307 : vector<16xf32>
          %mul3A_309 = arith.constant 16 : i32
          %mul3A_310 = arith.muli %scan3A_290, %mul3A_309 : i32
          %swap3A_311 = arith.index_cast %mul3A_310 : i32 to index
          %swap3A_312 = tpu.vector_load %arg11[%swap3A_311] {strides = array<i32>} : memref<4096xf32, #tpu.memory_space<vmem>>, vector<16xf32>,
          tpu.vector_store %arg11[%swap3A_311], %add3A_308 {strides = array<i32>} : memref<4096xf32, #tpu.memory_space<vmem>>, vector<16xf32>,
        }
        %scan3A_71 = arith.constant 256 : i32
        %dma_start3A_72 = arith.constant 4096 : i32
        %dma_start3A_73 = tpu.memref_slice %arg7[%select_n3A, %select_n3A_41, %dma_start3A_72] : memref<30x32x16384xf32, #tpu.memory_space<hbm>> -> memref<1x1x4096xf32, #tpu.memory_space<hbm>>
        %dma_start3A_74 = tpu.memref_squeeze %dma_start3A_73 : memref<1x1x4096xf32, #tpu.memory_space<hbm>> -> memref<4096xf32, #tpu.memory_space<hbm>>
        %dma_start3A_75 = arith.constant 4096 : i32
        %dma_start3A_76 = tpu.memref_slice %arg7[%select_n3A, %select_n3A_41, %dma_start3A_75] : memref<30x32x16384xf32, #tpu.memory_space<hbm>> -> memref<1x1x4096xf32, #tpu.memory_space<hbm>>
        %dma_start3A_77 = tpu.memref_squeeze %dma_start3A_76 : memref<1x1x4096xf32, #tpu.memory_space<hbm>> -> memref<4096xf32, #tpu.memory_space<hbm>>
        tpu.enqueue_dma source(%arg11 : memref<4096xf32, #tpu.memory_space<vmem>>) target(%dma_start3A_77 : memref<4096xf32, #tpu.memory_space<hbm>>) target_semaphore(%arg14 : memref<!tpu.dma_semaphore, #tpu.memory_space<semaphore_mem>>)
        %dma_wait3A = arith.constant 0 : i32
        %dma_wait3A_78 = tpu.memref_slice %arg7[%select_n3A, %select_n3A_41, %dma_wait3A] : memref<30x32x16384xf32, #tpu.memory_space<hbm>> -> memref<1x1x4096xf32, #tpu.memory_space<hbm>>
        %dma_wait3A_79 = tpu.memref_squeeze %dma_wait3A_78 : memref<1x1x4096xf32, #tpu.memory_space<hbm>> -> memref<4096xf32, #tpu.memory_space<hbm>>
        %dma_wait3A_80 = arith.constant 0 : i32
        %dma_wait3A_81 = tpu.memref_slice %arg7[%select_n3A, %select_n3A_41, %dma_wait3A_80] : memref<30x32x16384xf32, #tpu.memory_space<hbm>> -> memref<1x1x4096xf32, #tpu.memory_space<hbm>>
        %dma_wait3A_82 = tpu.memref_squeeze %dma_wait3A_81 : memref<1x1x4096xf32, #tpu.memory_space<hbm>> -> memref<4096xf32, #tpu.memory_space<hbm>>
        tpu.wait_dma2 semaphore(%arg14 : memref<!tpu.dma_semaphore, #tpu.memory_space<semaphore_mem>>) src(%arg10 : memref<4096xf32, #tpu.memory_space<vmem>>) dst(%dma_wait3A_82 : memref<4096xf32, #tpu.memory_space<hbm>>)
        "tpu.region"() ({
          %run_scoped3A = tpu.sem_alloc : memref<!tpu.dma_semaphore, #tpu.memory_space<semaphore_mem>>
          %dma_start3A_125 = arith.constant 8192 : i32
          %dma_start3A_126 = tpu.memref_slice %arg5[%select_n3A, %dma_start3A_125] : memref<4x16384xf32, #tpu.memory_space<hbm>> -> memref<1x4096xf32, #tpu.memory_space<hbm>>
          %dma_start3A_127 = tpu.memref_squeeze %dma_start3A_126 : memref<1x4096xf32, #tpu.memory_space<hbm>> -> memref<4096xf32, #tpu.memory_space<hbm>>
          %dma_start3A_128 = arith.constant 8192 : i32
          %dma_start3A_129 = tpu.memref_slice %arg5[%select_n3A, %dma_start3A_128] : memref<4x16384xf32, #tpu.memory_space<hbm>> -> memref<1x4096xf32, #tpu.memory_space<hbm>>
          %dma_start3A_130 = tpu.memref_squeeze %dma_start3A_129 : memref<1x4096xf32, #tpu.memory_space<hbm>> -> memref<4096xf32, #tpu.memory_space<hbm>>
          tpu.enqueue_dma source(%dma_start3A_130 : memref<4096xf32, #tpu.memory_space<hbm>>) target(%arg12 : memref<4096xf32, #tpu.memory_space<vmem>>) target_semaphore(%run_scoped3A : memref<!tpu.dma_semaphore, #tpu.memory_space<semaphore_mem>>)
          %dma_wait3A_131 = arith.constant 8192 : i32
          %dma_wait3A_132 = tpu.memref_slice %arg5[%select_n3A, %dma_wait3A_131] : memref<4x16384xf32, #tpu.memory_space<hbm>> -> memref<1x4096xf32, #tpu.memory_space<hbm>>
          %dma_wait3A_133 = tpu.memref_squeeze %dma_wait3A_132 : memref<1x4096xf32, #tpu.memory_space<hbm>> -> memref<4096xf32, #tpu.memory_space<hbm>>
          %dma_wait3A_134 = arith.constant 8192 : i32
          %dma_wait3A_135 = tpu.memref_slice %arg5[%select_n3A, %dma_wait3A_134] : memref<4x16384xf32, #tpu.memory_space<hbm>> -> memref<1x4096xf32, #tpu.memory_space<hbm>>
          %dma_wait3A_136 = tpu.memref_squeeze %dma_wait3A_135 : memref<1x4096xf32, #tpu.memory_space<hbm>> -> memref<4096xf32, #tpu.memory_space<hbm>>
          tpu.wait_dma2 semaphore(%run_scoped3A : memref<!tpu.dma_semaphore, #tpu.memory_space<semaphore_mem>>) src(%dma_wait3A_136 : memref<4096xf32, #tpu.memory_space<hbm>>) dst(%arg12 : memref<4096xf32, #tpu.memory_space<vmem>>)
          tpu.yield
        }) : () -> ()
        %scan3A_83 = arith.constant 0 : i32
        %scan3A_84 = arith.constant 0 : i32
        %scan3A_85 = arith.constant 256 : i32
        %scan3A_86 = arith.addi %scan3A_84, %scan3A_85 : i32
        %scan3A_87 = arith.constant 8 : i32
        scf.for %scan3A_125 = %scan3A_84 to %scan3A_86 step %scan3A_87  : i32 {
          %mul3A_126 = arith.constant 16 : i32
          %mul3A_127 = arith.muli %scan3A_125, %mul3A_126 : i32
          %add3A_128 = arith.constant 8192 : i32
          %add3A_129 = arith.addi %add3A_128, %mul3A_127 : i32
          %get3A = arith.index_cast %add3A_129 : i32 to index
          %get3A_130 = tpu.vector_load %arg9[%get3A] {strides = array<i32>} : memref<16384xi32, #tpu.memory_space<vmem>>, vector<16xi32>,
          %mul3A_131 = arith.constant 16 : i32
          %mul3A_132 = arith.muli %scan3A_125, %mul3A_131 : i32
          %get3A_133 = arith.index_cast %mul3A_132 : i32 to index
          %get3A_134 = tpu.vector_load %arg12[%get3A_133] {strides = array<i32>} : memref<4096xf32, #tpu.memory_space<vmem>>, vector<16xf32>,
          %gather3A = tpu.vector_load_idx %arg13[%get3A_130] : memref<32xf32, #tpu.memory_space<vmem>>[vector<16xi32>], vector<16xf32>,
          %add3A_135 = arith.constant 1 : i32
          %add3A_136 = vector.broadcast %add3A_135 : i32 to vector<16xi32>
          %add3A_137 = arith.addi %get3A_130, %add3A_136 : vector<16xi32>
          %gather3A_138 = tpu.vector_load_idx %arg13[%add3A_137] : memref<32xf32, #tpu.memory_space<vmem>>[vector<16xi32>], vector<16xf32>,
          %sub3A_139 = arith.subf %gather3A_138, %gather3A : vector<16xf32>
          %mul3A_140 = arith.mulf %get3A_134, %sub3A_139 : vector<16xf32>
          %add3A_141 = arith.addf %gather3A, %mul3A_140 : vector<16xf32>
          %mul3A_142 = arith.constant 16 : i32
          %mul3A_143 = arith.muli %scan3A_125, %mul3A_142 : i32
          %swap3A = arith.index_cast %mul3A_143 : i32 to index
          %swap3A_144 = tpu.vector_load %arg10[%swap3A] {strides = array<i32>} : memref<4096xf32, #tpu.memory_space<vmem>>, vector<16xf32>,
          tpu.vector_store %arg10[%swap3A], %add3A_141 {strides = array<i32>} : memref<4096xf32, #tpu.memory_space<vmem>>, vector<16xf32>,
          %scan3A_145 = arith.constant 1 : i32
          %scan3A_146 = arith.addi %scan3A_125, %scan3A_145 : i32
          %mul3A_147 = arith.constant 16 : i32
          %mul3A_148 = arith.muli %scan3A_146, %mul3A_147 : i32
          %add3A_149 = arith.constant 8192 : i32
          %add3A_150 = arith.addi %add3A_149, %mul3A_148 : i32
          %get3A_151 = arith.index_cast %add3A_150 : i32 to index
          %get3A_152 = tpu.vector_load %arg9[%get3A_151] {strides = array<i32>} : memref<16384xi32, #tpu.memory_space<vmem>>, vector<16xi32>,
          %mul3A_153 = arith.constant 16 : i32
          %mul3A_154 = arith.muli %scan3A_146, %mul3A_153 : i32
          %get3A_155 = arith.index_cast %mul3A_154 : i32 to index
          %get3A_156 = tpu.vector_load %arg12[%get3A_155] {strides = array<i32>} : memref<4096xf32, #tpu.memory_space<vmem>>, vector<16xf32>,
          %gather3A_157 = tpu.vector_load_idx %arg13[%get3A_152] : memref<32xf32, #tpu.memory_space<vmem>>[vector<16xi32>], vector<16xf32>,
          %add3A_158 = arith.constant 1 : i32
          %add3A_159 = vector.broadcast %add3A_158 : i32 to vector<16xi32>
          %add3A_160 = arith.addi %get3A_152, %add3A_159 : vector<16xi32>
          %gather3A_161 = tpu.vector_load_idx %arg13[%add3A_160] : memref<32xf32, #tpu.memory_space<vmem>>[vector<16xi32>], vector<16xf32>,
          %sub3A_162 = arith.subf %gather3A_161, %gather3A_157 : vector<16xf32>
          %mul3A_163 = arith.mulf %get3A_156, %sub3A_162 : vector<16xf32>
          %add3A_164 = arith.addf %gather3A_157, %mul3A_163 : vector<16xf32>
          %mul3A_165 = arith.constant 16 : i32
          %mul3A_166 = arith.muli %scan3A_146, %mul3A_165 : i32
          %swap3A_167 = arith.index_cast %mul3A_166 : i32 to index
          %swap3A_168 = tpu.vector_load %arg10[%swap3A_167] {strides = array<i32>} : memref<4096xf32, #tpu.memory_space<vmem>>, vector<16xf32>,
          tpu.vector_store %arg10[%swap3A_167], %add3A_164 {strides = array<i32>} : memref<4096xf32, #tpu.memory_space<vmem>>, vector<16xf32>,
          %scan3A_169 = arith.constant 2 : i32
          %scan3A_170 = arith.addi %scan3A_125, %scan3A_169 : i32
          %mul3A_171 = arith.constant 16 : i32
          %mul3A_172 = arith.muli %scan3A_170, %mul3A_171 : i32
          %add3A_173 = arith.constant 8192 : i32
          %add3A_174 = arith.addi %add3A_173, %mul3A_172 : i32
          %get3A_175 = arith.index_cast %add3A_174 : i32 to index
          %get3A_176 = tpu.vector_load %arg9[%get3A_175] {strides = array<i32>} : memref<16384xi32, #tpu.memory_space<vmem>>, vector<16xi32>,
          %mul3A_177 = arith.constant 16 : i32
          %mul3A_178 = arith.muli %scan3A_170, %mul3A_177 : i32
          %get3A_179 = arith.index_cast %mul3A_178 : i32 to index
          %get3A_180 = tpu.vector_load %arg12[%get3A_179] {strides = array<i32>} : memref<4096xf32, #tpu.memory_space<vmem>>, vector<16xf32>,
          %gather3A_181 = tpu.vector_load_idx %arg13[%get3A_176] : memref<32xf32, #tpu.memory_space<vmem>>[vector<16xi32>], vector<16xf32>,
          %add3A_182 = arith.constant 1 : i32
          %add3A_183 = vector.broadcast %add3A_182 : i32 to vector<16xi32>
          %add3A_184 = arith.addi %get3A_176, %add3A_183 : vector<16xi32>
          %gather3A_185 = tpu.vector_load_idx %arg13[%add3A_184] : memref<32xf32, #tpu.memory_space<vmem>>[vector<16xi32>], vector<16xf32>,
          %sub3A_186 = arith.subf %gather3A_185, %gather3A_181 : vector<16xf32>
          %mul3A_187 = arith.mulf %get3A_180, %sub3A_186 : vector<16xf32>
          %add3A_188 = arith.addf %gather3A_181, %mul3A_187 : vector<16xf32>
          %mul3A_189 = arith.constant 16 : i32
          %mul3A_190 = arith.muli %scan3A_170, %mul3A_189 : i32
          %swap3A_191 = arith.index_cast %mul3A_190 : i32 to index
          %swap3A_192 = tpu.vector_load %arg10[%swap3A_191] {strides = array<i32>} : memref<4096xf32, #tpu.memory_space<vmem>>, vector<16xf32>,
          tpu.vector_store %arg10[%swap3A_191], %add3A_188 {strides = array<i32>} : memref<4096xf32, #tpu.memory_space<vmem>>, vector<16xf32>,
          %scan3A_193 = arith.constant 3 : i32
          %scan3A_194 = arith.addi %scan3A_125, %scan3A_193 : i32
          %mul3A_195 = arith.constant 16 : i32
          %mul3A_196 = arith.muli %scan3A_194, %mul3A_195 : i32
          %add3A_197 = arith.constant 8192 : i32
          %add3A_198 = arith.addi %add3A_197, %mul3A_196 : i32
          %get3A_199 = arith.index_cast %add3A_198 : i32 to index
          %get3A_200 = tpu.vector_load %arg9[%get3A_199] {strides = array<i32>} : memref<16384xi32, #tpu.memory_space<vmem>>, vector<16xi32>,
          %mul3A_201 = arith.constant 16 : i32
          %mul3A_202 = arith.muli %scan3A_194, %mul3A_201 : i32
          %get3A_203 = arith.index_cast %mul3A_202 : i32 to index
          %get3A_204 = tpu.vector_load %arg12[%get3A_203] {strides = array<i32>} : memref<4096xf32, #tpu.memory_space<vmem>>, vector<16xf32>,
          %gather3A_205 = tpu.vector_load_idx %arg13[%get3A_200] : memref<32xf32, #tpu.memory_space<vmem>>[vector<16xi32>], vector<16xf32>,
          %add3A_206 = arith.constant 1 : i32
          %add3A_207 = vector.broadcast %add3A_206 : i32 to vector<16xi32>
          %add3A_208 = arith.addi %get3A_200, %add3A_207 : vector<16xi32>
          %gather3A_209 = tpu.vector_load_idx %arg13[%add3A_208] : memref<32xf32, #tpu.memory_space<vmem>>[vector<16xi32>], vector<16xf32>,
          %sub3A_210 = arith.subf %gather3A_209, %gather3A_205 : vector<16xf32>
          %mul3A_211 = arith.mulf %get3A_204, %sub3A_210 : vector<16xf32>
          %add3A_212 = arith.addf %gather3A_205, %mul3A_211 : vector<16xf32>
          %mul3A_213 = arith.constant 16 : i32
          %mul3A_214 = arith.muli %scan3A_194, %mul3A_213 : i32
          %swap3A_215 = arith.index_cast %mul3A_214 : i32 to index
          %swap3A_216 = tpu.vector_load %arg10[%swap3A_215] {strides = array<i32>} : memref<4096xf32, #tpu.memory_space<vmem>>, vector<16xf32>,
          tpu.vector_store %arg10[%swap3A_215], %add3A_212 {strides = array<i32>} : memref<4096xf32, #tpu.memory_space<vmem>>, vector<16xf32>,
          %scan3A_217 = arith.constant 4 : i32
          %scan3A_218 = arith.addi %scan3A_125, %scan3A_217 : i32
          %mul3A_219 = arith.constant 16 : i32
          %mul3A_220 = arith.muli %scan3A_218, %mul3A_219 : i32
          %add3A_221 = arith.constant 8192 : i32
          %add3A_222 = arith.addi %add3A_221, %mul3A_220 : i32
          %get3A_223 = arith.index_cast %add3A_222 : i32 to index
          %get3A_224 = tpu.vector_load %arg9[%get3A_223] {strides = array<i32>} : memref<16384xi32, #tpu.memory_space<vmem>>, vector<16xi32>,
          %mul3A_225 = arith.constant 16 : i32
          %mul3A_226 = arith.muli %scan3A_218, %mul3A_225 : i32
          %get3A_227 = arith.index_cast %mul3A_226 : i32 to index
          %get3A_228 = tpu.vector_load %arg12[%get3A_227] {strides = array<i32>} : memref<4096xf32, #tpu.memory_space<vmem>>, vector<16xf32>,
          %gather3A_229 = tpu.vector_load_idx %arg13[%get3A_224] : memref<32xf32, #tpu.memory_space<vmem>>[vector<16xi32>], vector<16xf32>,
          %add3A_230 = arith.constant 1 : i32
          %add3A_231 = vector.broadcast %add3A_230 : i32 to vector<16xi32>
          %add3A_232 = arith.addi %get3A_224, %add3A_231 : vector<16xi32>
          %gather3A_233 = tpu.vector_load_idx %arg13[%add3A_232] : memref<32xf32, #tpu.memory_space<vmem>>[vector<16xi32>], vector<16xf32>,
          %sub3A_234 = arith.subf %gather3A_233, %gather3A_229 : vector<16xf32>
          %mul3A_235 = arith.mulf %get3A_228, %sub3A_234 : vector<16xf32>
          %add3A_236 = arith.addf %gather3A_229, %mul3A_235 : vector<16xf32>
          %mul3A_237 = arith.constant 16 : i32
          %mul3A_238 = arith.muli %scan3A_218, %mul3A_237 : i32
          %swap3A_239 = arith.index_cast %mul3A_238 : i32 to index
          %swap3A_240 = tpu.vector_load %arg10[%swap3A_239] {strides = array<i32>} : memref<4096xf32, #tpu.memory_space<vmem>>, vector<16xf32>,
          tpu.vector_store %arg10[%swap3A_239], %add3A_236 {strides = array<i32>} : memref<4096xf32, #tpu.memory_space<vmem>>, vector<16xf32>,
          %scan3A_241 = arith.constant 5 : i32
          %scan3A_242 = arith.addi %scan3A_125, %scan3A_241 : i32
          %mul3A_243 = arith.constant 16 : i32
          %mul3A_244 = arith.muli %scan3A_242, %mul3A_243 : i32
          %add3A_245 = arith.constant 8192 : i32
          %add3A_246 = arith.addi %add3A_245, %mul3A_244 : i32
          %get3A_247 = arith.index_cast %add3A_246 : i32 to index
          %get3A_248 = tpu.vector_load %arg9[%get3A_247] {strides = array<i32>} : memref<16384xi32, #tpu.memory_space<vmem>>, vector<16xi32>,
          %mul3A_249 = arith.constant 16 : i32
          %mul3A_250 = arith.muli %scan3A_242, %mul3A_249 : i32
          %get3A_251 = arith.index_cast %mul3A_250 : i32 to index
          %get3A_252 = tpu.vector_load %arg12[%get3A_251] {strides = array<i32>} : memref<4096xf32, #tpu.memory_space<vmem>>, vector<16xf32>,
          %gather3A_253 = tpu.vector_load_idx %arg13[%get3A_248] : memref<32xf32, #tpu.memory_space<vmem>>[vector<16xi32>], vector<16xf32>,
          %add3A_254 = arith.constant 1 : i32
          %add3A_255 = vector.broadcast %add3A_254 : i32 to vector<16xi32>
          %add3A_256 = arith.addi %get3A_248, %add3A_255 : vector<16xi32>
          %gather3A_257 = tpu.vector_load_idx %arg13[%add3A_256] : memref<32xf32, #tpu.memory_space<vmem>>[vector<16xi32>], vector<16xf32>,
          %sub3A_258 = arith.subf %gather3A_257, %gather3A_253 : vector<16xf32>
          %mul3A_259 = arith.mulf %get3A_252, %sub3A_258 : vector<16xf32>
          %add3A_260 = arith.addf %gather3A_253, %mul3A_259 : vector<16xf32>
          %mul3A_261 = arith.constant 16 : i32
          %mul3A_262 = arith.muli %scan3A_242, %mul3A_261 : i32
          %swap3A_263 = arith.index_cast %mul3A_262 : i32 to index
          %swap3A_264 = tpu.vector_load %arg10[%swap3A_263] {strides = array<i32>} : memref<4096xf32, #tpu.memory_space<vmem>>, vector<16xf32>,
          tpu.vector_store %arg10[%swap3A_263], %add3A_260 {strides = array<i32>} : memref<4096xf32, #tpu.memory_space<vmem>>, vector<16xf32>,
          %scan3A_265 = arith.constant 6 : i32
          %scan3A_266 = arith.addi %scan3A_125, %scan3A_265 : i32
          %mul3A_267 = arith.constant 16 : i32
          %mul3A_268 = arith.muli %scan3A_266, %mul3A_267 : i32
          %add3A_269 = arith.constant 8192 : i32
          %add3A_270 = arith.addi %add3A_269, %mul3A_268 : i32
          %get3A_271 = arith.index_cast %add3A_270 : i32 to index
          %get3A_272 = tpu.vector_load %arg9[%get3A_271] {strides = array<i32>} : memref<16384xi32, #tpu.memory_space<vmem>>, vector<16xi32>,
          %mul3A_273 = arith.constant 16 : i32
          %mul3A_274 = arith.muli %scan3A_266, %mul3A_273 : i32
          %get3A_275 = arith.index_cast %mul3A_274 : i32 to index
          %get3A_276 = tpu.vector_load %arg12[%get3A_275] {strides = array<i32>} : memref<4096xf32, #tpu.memory_space<vmem>>, vector<16xf32>,
          %gather3A_277 = tpu.vector_load_idx %arg13[%get3A_272] : memref<32xf32, #tpu.memory_space<vmem>>[vector<16xi32>], vector<16xf32>,
          %add3A_278 = arith.constant 1 : i32
          %add3A_279 = vector.broadcast %add3A_278 : i32 to vector<16xi32>
          %add3A_280 = arith.addi %get3A_272, %add3A_279 : vector<16xi32>
          %gather3A_281 = tpu.vector_load_idx %arg13[%add3A_280] : memref<32xf32, #tpu.memory_space<vmem>>[vector<16xi32>], vector<16xf32>,
          %sub3A_282 = arith.subf %gather3A_281, %gather3A_277 : vector<16xf32>
          %mul3A_283 = arith.mulf %get3A_276, %sub3A_282 : vector<16xf32>
          %add3A_284 = arith.addf %gather3A_277, %mul3A_283 : vector<16xf32>
          %mul3A_285 = arith.constant 16 : i32
          %mul3A_286 = arith.muli %scan3A_266, %mul3A_285 : i32
          %swap3A_287 = arith.index_cast %mul3A_286 : i32 to index
          %swap3A_288 = tpu.vector_load %arg10[%swap3A_287] {strides = array<i32>} : memref<4096xf32, #tpu.memory_space<vmem>>, vector<16xf32>,
          tpu.vector_store %arg10[%swap3A_287], %add3A_284 {strides = array<i32>} : memref<4096xf32, #tpu.memory_space<vmem>>, vector<16xf32>,
          %scan3A_289 = arith.constant 7 : i32
          %scan3A_290 = arith.addi %scan3A_125, %scan3A_289 : i32
          %mul3A_291 = arith.constant 16 : i32
          %mul3A_292 = arith.muli %scan3A_290, %mul3A_291 : i32
          %add3A_293 = arith.constant 8192 : i32
          %add3A_294 = arith.addi %add3A_293, %mul3A_292 : i32
          %get3A_295 = arith.index_cast %add3A_294 : i32 to index
          %get3A_296 = tpu.vector_load %arg9[%get3A_295] {strides = array<i32>} : memref<16384xi32, #tpu.memory_space<vmem>>, vector<16xi32>,
          %mul3A_297 = arith.constant 16 : i32
          %mul3A_298 = arith.muli %scan3A_290, %mul3A_297 : i32
          %get3A_299 = arith.index_cast %mul3A_298 : i32 to index
          %get3A_300 = tpu.vector_load %arg12[%get3A_299] {strides = array<i32>} : memref<4096xf32, #tpu.memory_space<vmem>>, vector<16xf32>,
          %gather3A_301 = tpu.vector_load_idx %arg13[%get3A_296] : memref<32xf32, #tpu.memory_space<vmem>>[vector<16xi32>], vector<16xf32>,
          %add3A_302 = arith.constant 1 : i32
          %add3A_303 = vector.broadcast %add3A_302 : i32 to vector<16xi32>
          %add3A_304 = arith.addi %get3A_296, %add3A_303 : vector<16xi32>
          %gather3A_305 = tpu.vector_load_idx %arg13[%add3A_304] : memref<32xf32, #tpu.memory_space<vmem>>[vector<16xi32>], vector<16xf32>,
          %sub3A_306 = arith.subf %gather3A_305, %gather3A_301 : vector<16xf32>
          %mul3A_307 = arith.mulf %get3A_300, %sub3A_306 : vector<16xf32>
          %add3A_308 = arith.addf %gather3A_301, %mul3A_307 : vector<16xf32>
          %mul3A_309 = arith.constant 16 : i32
          %mul3A_310 = arith.muli %scan3A_290, %mul3A_309 : i32
          %swap3A_311 = arith.index_cast %mul3A_310 : i32 to index
          %swap3A_312 = tpu.vector_load %arg10[%swap3A_311] {strides = array<i32>} : memref<4096xf32, #tpu.memory_space<vmem>>, vector<16xf32>,
          tpu.vector_store %arg10[%swap3A_311], %add3A_308 {strides = array<i32>} : memref<4096xf32, #tpu.memory_space<vmem>>, vector<16xf32>,
        }
        %scan3A_88 = arith.constant 256 : i32
        %dma_start3A_89 = arith.constant 8192 : i32
        %dma_start3A_90 = tpu.memref_slice %arg7[%select_n3A, %select_n3A_41, %dma_start3A_89] : memref<30x32x16384xf32, #tpu.memory_space<hbm>> -> memref<1x1x4096xf32, #tpu.memory_space<hbm>>
        %dma_start3A_91 = tpu.memref_squeeze %dma_start3A_90 : memref<1x1x4096xf32, #tpu.memory_space<hbm>> -> memref<4096xf32, #tpu.memory_space<hbm>>
        %dma_start3A_92 = arith.constant 8192 : i32
        %dma_start3A_93 = tpu.memref_slice %arg7[%select_n3A, %select_n3A_41, %dma_start3A_92] : memref<30x32x16384xf32, #tpu.memory_space<hbm>> -> memref<1x1x4096xf32, #tpu.memory_space<hbm>>
        %dma_start3A_94 = tpu.memref_squeeze %dma_start3A_93 : memref<1x1x4096xf32, #tpu.memory_space<hbm>> -> memref<4096xf32, #tpu.memory_space<hbm>>
        tpu.enqueue_dma source(%arg10 : memref<4096xf32, #tpu.memory_space<vmem>>) target(%dma_start3A_94 : memref<4096xf32, #tpu.memory_space<hbm>>) target_semaphore(%arg14 : memref<!tpu.dma_semaphore, #tpu.memory_space<semaphore_mem>>)
        %dma_wait3A_95 = arith.constant 4096 : i32
        %dma_wait3A_96 = tpu.memref_slice %arg7[%select_n3A, %select_n3A_41, %dma_wait3A_95] : memref<30x32x16384xf32, #tpu.memory_space<hbm>> -> memref<1x1x4096xf32, #tpu.memory_space<hbm>>
        %dma_wait3A_97 = tpu.memref_squeeze %dma_wait3A_96 : memref<1x1x4096xf32, #tpu.memory_space<hbm>> -> memref<4096xf32, #tpu.memory_space<hbm>>
        %dma_wait3A_98 = arith.constant 4096 : i32
        %dma_wait3A_99 = tpu.memref_slice %arg7[%select_n3A, %select_n3A_41, %dma_wait3A_98] : memref<30x32x16384xf32, #tpu.memory_space<hbm>> -> memref<1x1x4096xf32, #tpu.memory_space<hbm>>
        %dma_wait3A_100 = tpu.memref_squeeze %dma_wait3A_99 : memref<1x1x4096xf32, #tpu.memory_space<hbm>> -> memref<4096xf32, #tpu.memory_space<hbm>>
        tpu.wait_dma2 semaphore(%arg14 : memref<!tpu.dma_semaphore, #tpu.memory_space<semaphore_mem>>) src(%arg11 : memref<4096xf32, #tpu.memory_space<vmem>>) dst(%dma_wait3A_100 : memref<4096xf32, #tpu.memory_space<hbm>>)
        "tpu.region"() ({
          %run_scoped3A = tpu.sem_alloc : memref<!tpu.dma_semaphore, #tpu.memory_space<semaphore_mem>>
          %dma_start3A_125 = arith.constant 12288 : i32
          %dma_start3A_126 = tpu.memref_slice %arg5[%select_n3A, %dma_start3A_125] : memref<4x16384xf32, #tpu.memory_space<hbm>> -> memref<1x4096xf32, #tpu.memory_space<hbm>>
          %dma_start3A_127 = tpu.memref_squeeze %dma_start3A_126 : memref<1x4096xf32, #tpu.memory_space<hbm>> -> memref<4096xf32, #tpu.memory_space<hbm>>
          %dma_start3A_128 = arith.constant 12288 : i32
          %dma_start3A_129 = tpu.memref_slice %arg5[%select_n3A, %dma_start3A_128] : memref<4x16384xf32, #tpu.memory_space<hbm>> -> memref<1x4096xf32, #tpu.memory_space<hbm>>
          %dma_start3A_130 = tpu.memref_squeeze %dma_start3A_129 : memref<1x4096xf32, #tpu.memory_space<hbm>> -> memref<4096xf32, #tpu.memory_space<hbm>>
          tpu.enqueue_dma source(%dma_start3A_130 : memref<4096xf32, #tpu.memory_space<hbm>>) target(%arg12 : memref<4096xf32, #tpu.memory_space<vmem>>) target_semaphore(%run_scoped3A : memref<!tpu.dma_semaphore, #tpu.memory_space<semaphore_mem>>)
          %dma_wait3A_131 = arith.constant 12288 : i32
          %dma_wait3A_132 = tpu.memref_slice %arg5[%select_n3A, %dma_wait3A_131] : memref<4x16384xf32, #tpu.memory_space<hbm>> -> memref<1x4096xf32, #tpu.memory_space<hbm>>
          %dma_wait3A_133 = tpu.memref_squeeze %dma_wait3A_132 : memref<1x4096xf32, #tpu.memory_space<hbm>> -> memref<4096xf32, #tpu.memory_space<hbm>>
          %dma_wait3A_134 = arith.constant 12288 : i32
          %dma_wait3A_135 = tpu.memref_slice %arg5[%select_n3A, %dma_wait3A_134] : memref<4x16384xf32, #tpu.memory_space<hbm>> -> memref<1x4096xf32, #tpu.memory_space<hbm>>
          %dma_wait3A_136 = tpu.memref_squeeze %dma_wait3A_135 : memref<1x4096xf32, #tpu.memory_space<hbm>> -> memref<4096xf32, #tpu.memory_space<hbm>>
          tpu.wait_dma2 semaphore(%run_scoped3A : memref<!tpu.dma_semaphore, #tpu.memory_space<semaphore_mem>>) src(%dma_wait3A_136 : memref<4096xf32, #tpu.memory_space<hbm>>) dst(%arg12 : memref<4096xf32, #tpu.memory_space<vmem>>)
          tpu.yield
        }) : () -> ()
        %scan3A_101 = arith.constant 0 : i32
        %scan3A_102 = arith.constant 0 : i32
        %scan3A_103 = arith.constant 256 : i32
        %scan3A_104 = arith.addi %scan3A_102, %scan3A_103 : i32
        %scan3A_105 = arith.constant 8 : i32
        scf.for %scan3A_125 = %scan3A_102 to %scan3A_104 step %scan3A_105  : i32 {
          %mul3A_126 = arith.constant 16 : i32
          %mul3A_127 = arith.muli %scan3A_125, %mul3A_126 : i32
          %add3A_128 = arith.constant 12288 : i32
          %add3A_129 = arith.addi %add3A_128, %mul3A_127 : i32
          %get3A = arith.index_cast %add3A_129 : i32 to index
          %get3A_130 = tpu.vector_load %arg9[%get3A] {strides = array<i32>} : memref<16384xi32, #tpu.memory_space<vmem>>, vector<16xi32>,
          %mul3A_131 = arith.constant 16 : i32
          %mul3A_132 = arith.muli %scan3A_125, %mul3A_131 : i32
          %get3A_133 = arith.index_cast %mul3A_132 : i32 to index
          %get3A_134 = tpu.vector_load %arg12[%get3A_133] {strides = array<i32>} : memref<4096xf32, #tpu.memory_space<vmem>>, vector<16xf32>,
          %gather3A = tpu.vector_load_idx %arg13[%get3A_130] : memref<32xf32, #tpu.memory_space<vmem>>[vector<16xi32>], vector<16xf32>,
          %add3A_135 = arith.constant 1 : i32
          %add3A_136 = vector.broadcast %add3A_135 : i32 to vector<16xi32>
          %add3A_137 = arith.addi %get3A_130, %add3A_136 : vector<16xi32>
          %gather3A_138 = tpu.vector_load_idx %arg13[%add3A_137] : memref<32xf32, #tpu.memory_space<vmem>>[vector<16xi32>], vector<16xf32>,
          %sub3A_139 = arith.subf %gather3A_138, %gather3A : vector<16xf32>
          %mul3A_140 = arith.mulf %get3A_134, %sub3A_139 : vector<16xf32>
          %add3A_141 = arith.addf %gather3A, %mul3A_140 : vector<16xf32>
          %mul3A_142 = arith.constant 16 : i32
          %mul3A_143 = arith.muli %scan3A_125, %mul3A_142 : i32
          %swap3A = arith.index_cast %mul3A_143 : i32 to index
          %swap3A_144 = tpu.vector_load %arg11[%swap3A] {strides = array<i32>} : memref<4096xf32, #tpu.memory_space<vmem>>, vector<16xf32>,
          tpu.vector_store %arg11[%swap3A], %add3A_141 {strides = array<i32>} : memref<4096xf32, #tpu.memory_space<vmem>>, vector<16xf32>,
          %scan3A_145 = arith.constant 1 : i32
          %scan3A_146 = arith.addi %scan3A_125, %scan3A_145 : i32
          %mul3A_147 = arith.constant 16 : i32
          %mul3A_148 = arith.muli %scan3A_146, %mul3A_147 : i32
          %add3A_149 = arith.constant 12288 : i32
          %add3A_150 = arith.addi %add3A_149, %mul3A_148 : i32
          %get3A_151 = arith.index_cast %add3A_150 : i32 to index
          %get3A_152 = tpu.vector_load %arg9[%get3A_151] {strides = array<i32>} : memref<16384xi32, #tpu.memory_space<vmem>>, vector<16xi32>,
          %mul3A_153 = arith.constant 16 : i32
          %mul3A_154 = arith.muli %scan3A_146, %mul3A_153 : i32
          %get3A_155 = arith.index_cast %mul3A_154 : i32 to index
          %get3A_156 = tpu.vector_load %arg12[%get3A_155] {strides = array<i32>} : memref<4096xf32, #tpu.memory_space<vmem>>, vector<16xf32>,
          %gather3A_157 = tpu.vector_load_idx %arg13[%get3A_152] : memref<32xf32, #tpu.memory_space<vmem>>[vector<16xi32>], vector<16xf32>,
          %add3A_158 = arith.constant 1 : i32
          %add3A_159 = vector.broadcast %add3A_158 : i32 to vector<16xi32>
          %add3A_160 = arith.addi %get3A_152, %add3A_159 : vector<16xi32>
          %gather3A_161 = tpu.vector_load_idx %arg13[%add3A_160] : memref<32xf32, #tpu.memory_space<vmem>>[vector<16xi32>], vector<16xf32>,
          %sub3A_162 = arith.subf %gather3A_161, %gather3A_157 : vector<16xf32>
          %mul3A_163 = arith.mulf %get3A_156, %sub3A_162 : vector<16xf32>
          %add3A_164 = arith.addf %gather3A_157, %mul3A_163 : vector<16xf32>
          %mul3A_165 = arith.constant 16 : i32
          %mul3A_166 = arith.muli %scan3A_146, %mul3A_165 : i32
          %swap3A_167 = arith.index_cast %mul3A_166 : i32 to index
          %swap3A_168 = tpu.vector_load %arg11[%swap3A_167] {strides = array<i32>} : memref<4096xf32, #tpu.memory_space<vmem>>, vector<16xf32>,
          tpu.vector_store %arg11[%swap3A_167], %add3A_164 {strides = array<i32>} : memref<4096xf32, #tpu.memory_space<vmem>>, vector<16xf32>,
          %scan3A_169 = arith.constant 2 : i32
          %scan3A_170 = arith.addi %scan3A_125, %scan3A_169 : i32
          %mul3A_171 = arith.constant 16 : i32
          %mul3A_172 = arith.muli %scan3A_170, %mul3A_171 : i32
          %add3A_173 = arith.constant 12288 : i32
          %add3A_174 = arith.addi %add3A_173, %mul3A_172 : i32
          %get3A_175 = arith.index_cast %add3A_174 : i32 to index
          %get3A_176 = tpu.vector_load %arg9[%get3A_175] {strides = array<i32>} : memref<16384xi32, #tpu.memory_space<vmem>>, vector<16xi32>,
          %mul3A_177 = arith.constant 16 : i32
          %mul3A_178 = arith.muli %scan3A_170, %mul3A_177 : i32
          %get3A_179 = arith.index_cast %mul3A_178 : i32 to index
          %get3A_180 = tpu.vector_load %arg12[%get3A_179] {strides = array<i32>} : memref<4096xf32, #tpu.memory_space<vmem>>, vector<16xf32>,
          %gather3A_181 = tpu.vector_load_idx %arg13[%get3A_176] : memref<32xf32, #tpu.memory_space<vmem>>[vector<16xi32>], vector<16xf32>,
          %add3A_182 = arith.constant 1 : i32
          %add3A_183 = vector.broadcast %add3A_182 : i32 to vector<16xi32>
          %add3A_184 = arith.addi %get3A_176, %add3A_183 : vector<16xi32>
          %gather3A_185 = tpu.vector_load_idx %arg13[%add3A_184] : memref<32xf32, #tpu.memory_space<vmem>>[vector<16xi32>], vector<16xf32>,
          %sub3A_186 = arith.subf %gather3A_185, %gather3A_181 : vector<16xf32>
          %mul3A_187 = arith.mulf %get3A_180, %sub3A_186 : vector<16xf32>
          %add3A_188 = arith.addf %gather3A_181, %mul3A_187 : vector<16xf32>
          %mul3A_189 = arith.constant 16 : i32
          %mul3A_190 = arith.muli %scan3A_170, %mul3A_189 : i32
          %swap3A_191 = arith.index_cast %mul3A_190 : i32 to index
          %swap3A_192 = tpu.vector_load %arg11[%swap3A_191] {strides = array<i32>} : memref<4096xf32, #tpu.memory_space<vmem>>, vector<16xf32>,
          tpu.vector_store %arg11[%swap3A_191], %add3A_188 {strides = array<i32>} : memref<4096xf32, #tpu.memory_space<vmem>>, vector<16xf32>,
          %scan3A_193 = arith.constant 3 : i32
          %scan3A_194 = arith.addi %scan3A_125, %scan3A_193 : i32
          %mul3A_195 = arith.constant 16 : i32
          %mul3A_196 = arith.muli %scan3A_194, %mul3A_195 : i32
          %add3A_197 = arith.constant 12288 : i32
          %add3A_198 = arith.addi %add3A_197, %mul3A_196 : i32
          %get3A_199 = arith.index_cast %add3A_198 : i32 to index
          %get3A_200 = tpu.vector_load %arg9[%get3A_199] {strides = array<i32>} : memref<16384xi32, #tpu.memory_space<vmem>>, vector<16xi32>,
          %mul3A_201 = arith.constant 16 : i32
          %mul3A_202 = arith.muli %scan3A_194, %mul3A_201 : i32
          %get3A_203 = arith.index_cast %mul3A_202 : i32 to index
          %get3A_204 = tpu.vector_load %arg12[%get3A_203] {strides = array<i32>} : memref<4096xf32, #tpu.memory_space<vmem>>, vector<16xf32>,
          %gather3A_205 = tpu.vector_load_idx %arg13[%get3A_200] : memref<32xf32, #tpu.memory_space<vmem>>[vector<16xi32>], vector<16xf32>,
          %add3A_206 = arith.constant 1 : i32
          %add3A_207 = vector.broadcast %add3A_206 : i32 to vector<16xi32>
          %add3A_208 = arith.addi %get3A_200, %add3A_207 : vector<16xi32>
          %gather3A_209 = tpu.vector_load_idx %arg13[%add3A_208] : memref<32xf32, #tpu.memory_space<vmem>>[vector<16xi32>], vector<16xf32>,
          %sub3A_210 = arith.subf %gather3A_209, %gather3A_205 : vector<16xf32>
          %mul3A_211 = arith.mulf %get3A_204, %sub3A_210 : vector<16xf32>
          %add3A_212 = arith.addf %gather3A_205, %mul3A_211 : vector<16xf32>
          %mul3A_213 = arith.constant 16 : i32
          %mul3A_214 = arith.muli %scan3A_194, %mul3A_213 : i32
          %swap3A_215 = arith.index_cast %mul3A_214 : i32 to index
          %swap3A_216 = tpu.vector_load %arg11[%swap3A_215] {strides = array<i32>} : memref<4096xf32, #tpu.memory_space<vmem>>, vector<16xf32>,
          tpu.vector_store %arg11[%swap3A_215], %add3A_212 {strides = array<i32>} : memref<4096xf32, #tpu.memory_space<vmem>>, vector<16xf32>,
          %scan3A_217 = arith.constant 4 : i32
          %scan3A_218 = arith.addi %scan3A_125, %scan3A_217 : i32
          %mul3A_219 = arith.constant 16 : i32
          %mul3A_220 = arith.muli %scan3A_218, %mul3A_219 : i32
          %add3A_221 = arith.constant 12288 : i32
          %add3A_222 = arith.addi %add3A_221, %mul3A_220 : i32
          %get3A_223 = arith.index_cast %add3A_222 : i32 to index
          %get3A_224 = tpu.vector_load %arg9[%get3A_223] {strides = array<i32>} : memref<16384xi32, #tpu.memory_space<vmem>>, vector<16xi32>,
          %mul3A_225 = arith.constant 16 : i32
          %mul3A_226 = arith.muli %scan3A_218, %mul3A_225 : i32
          %get3A_227 = arith.index_cast %mul3A_226 : i32 to index
          %get3A_228 = tpu.vector_load %arg12[%get3A_227] {strides = array<i32>} : memref<4096xf32, #tpu.memory_space<vmem>>, vector<16xf32>,
          %gather3A_229 = tpu.vector_load_idx %arg13[%get3A_224] : memref<32xf32, #tpu.memory_space<vmem>>[vector<16xi32>], vector<16xf32>,
          %add3A_230 = arith.constant 1 : i32
          %add3A_231 = vector.broadcast %add3A_230 : i32 to vector<16xi32>
          %add3A_232 = arith.addi %get3A_224, %add3A_231 : vector<16xi32>
          %gather3A_233 = tpu.vector_load_idx %arg13[%add3A_232] : memref<32xf32, #tpu.memory_space<vmem>>[vector<16xi32>], vector<16xf32>,
          %sub3A_234 = arith.subf %gather3A_233, %gather3A_229 : vector<16xf32>
          %mul3A_235 = arith.mulf %get3A_228, %sub3A_234 : vector<16xf32>
          %add3A_236 = arith.addf %gather3A_229, %mul3A_235 : vector<16xf32>
          %mul3A_237 = arith.constant 16 : i32
          %mul3A_238 = arith.muli %scan3A_218, %mul3A_237 : i32
          %swap3A_239 = arith.index_cast %mul3A_238 : i32 to index
          %swap3A_240 = tpu.vector_load %arg11[%swap3A_239] {strides = array<i32>} : memref<4096xf32, #tpu.memory_space<vmem>>, vector<16xf32>,
          tpu.vector_store %arg11[%swap3A_239], %add3A_236 {strides = array<i32>} : memref<4096xf32, #tpu.memory_space<vmem>>, vector<16xf32>,
          %scan3A_241 = arith.constant 5 : i32
          %scan3A_242 = arith.addi %scan3A_125, %scan3A_241 : i32
          %mul3A_243 = arith.constant 16 : i32
          %mul3A_244 = arith.muli %scan3A_242, %mul3A_243 : i32
          %add3A_245 = arith.constant 12288 : i32
          %add3A_246 = arith.addi %add3A_245, %mul3A_244 : i32
          %get3A_247 = arith.index_cast %add3A_246 : i32 to index
          %get3A_248 = tpu.vector_load %arg9[%get3A_247] {strides = array<i32>} : memref<16384xi32, #tpu.memory_space<vmem>>, vector<16xi32>,
          %mul3A_249 = arith.constant 16 : i32
          %mul3A_250 = arith.muli %scan3A_242, %mul3A_249 : i32
          %get3A_251 = arith.index_cast %mul3A_250 : i32 to index
          %get3A_252 = tpu.vector_load %arg12[%get3A_251] {strides = array<i32>} : memref<4096xf32, #tpu.memory_space<vmem>>, vector<16xf32>,
          %gather3A_253 = tpu.vector_load_idx %arg13[%get3A_248] : memref<32xf32, #tpu.memory_space<vmem>>[vector<16xi32>], vector<16xf32>,
          %add3A_254 = arith.constant 1 : i32
          %add3A_255 = vector.broadcast %add3A_254 : i32 to vector<16xi32>
          %add3A_256 = arith.addi %get3A_248, %add3A_255 : vector<16xi32>
          %gather3A_257 = tpu.vector_load_idx %arg13[%add3A_256] : memref<32xf32, #tpu.memory_space<vmem>>[vector<16xi32>], vector<16xf32>,
          %sub3A_258 = arith.subf %gather3A_257, %gather3A_253 : vector<16xf32>
          %mul3A_259 = arith.mulf %get3A_252, %sub3A_258 : vector<16xf32>
          %add3A_260 = arith.addf %gather3A_253, %mul3A_259 : vector<16xf32>
          %mul3A_261 = arith.constant 16 : i32
          %mul3A_262 = arith.muli %scan3A_242, %mul3A_261 : i32
          %swap3A_263 = arith.index_cast %mul3A_262 : i32 to index
          %swap3A_264 = tpu.vector_load %arg11[%swap3A_263] {strides = array<i32>} : memref<4096xf32, #tpu.memory_space<vmem>>, vector<16xf32>,
          tpu.vector_store %arg11[%swap3A_263], %add3A_260 {strides = array<i32>} : memref<4096xf32, #tpu.memory_space<vmem>>, vector<16xf32>,
          %scan3A_265 = arith.constant 6 : i32
          %scan3A_266 = arith.addi %scan3A_125, %scan3A_265 : i32
          %mul3A_267 = arith.constant 16 : i32
          %mul3A_268 = arith.muli %scan3A_266, %mul3A_267 : i32
          %add3A_269 = arith.constant 12288 : i32
          %add3A_270 = arith.addi %add3A_269, %mul3A_268 : i32
          %get3A_271 = arith.index_cast %add3A_270 : i32 to index
          %get3A_272 = tpu.vector_load %arg9[%get3A_271] {strides = array<i32>} : memref<16384xi32, #tpu.memory_space<vmem>>, vector<16xi32>,
          %mul3A_273 = arith.constant 16 : i32
          %mul3A_274 = arith.muli %scan3A_266, %mul3A_273 : i32
          %get3A_275 = arith.index_cast %mul3A_274 : i32 to index
          %get3A_276 = tpu.vector_load %arg12[%get3A_275] {strides = array<i32>} : memref<4096xf32, #tpu.memory_space<vmem>>, vector<16xf32>,
          %gather3A_277 = tpu.vector_load_idx %arg13[%get3A_272] : memref<32xf32, #tpu.memory_space<vmem>>[vector<16xi32>], vector<16xf32>,
          %add3A_278 = arith.constant 1 : i32
          %add3A_279 = vector.broadcast %add3A_278 : i32 to vector<16xi32>
          %add3A_280 = arith.addi %get3A_272, %add3A_279 : vector<16xi32>
          %gather3A_281 = tpu.vector_load_idx %arg13[%add3A_280] : memref<32xf32, #tpu.memory_space<vmem>>[vector<16xi32>], vector<16xf32>,
          %sub3A_282 = arith.subf %gather3A_281, %gather3A_277 : vector<16xf32>
          %mul3A_283 = arith.mulf %get3A_276, %sub3A_282 : vector<16xf32>
          %add3A_284 = arith.addf %gather3A_277, %mul3A_283 : vector<16xf32>
          %mul3A_285 = arith.constant 16 : i32
          %mul3A_286 = arith.muli %scan3A_266, %mul3A_285 : i32
          %swap3A_287 = arith.index_cast %mul3A_286 : i32 to index
          %swap3A_288 = tpu.vector_load %arg11[%swap3A_287] {strides = array<i32>} : memref<4096xf32, #tpu.memory_space<vmem>>, vector<16xf32>,
          tpu.vector_store %arg11[%swap3A_287], %add3A_284 {strides = array<i32>} : memref<4096xf32, #tpu.memory_space<vmem>>, vector<16xf32>,
          %scan3A_289 = arith.constant 7 : i32
          %scan3A_290 = arith.addi %scan3A_125, %scan3A_289 : i32
          %mul3A_291 = arith.constant 16 : i32
          %mul3A_292 = arith.muli %scan3A_290, %mul3A_291 : i32
          %add3A_293 = arith.constant 12288 : i32
          %add3A_294 = arith.addi %add3A_293, %mul3A_292 : i32
          %get3A_295 = arith.index_cast %add3A_294 : i32 to index
          %get3A_296 = tpu.vector_load %arg9[%get3A_295] {strides = array<i32>} : memref<16384xi32, #tpu.memory_space<vmem>>, vector<16xi32>,
          %mul3A_297 = arith.constant 16 : i32
          %mul3A_298 = arith.muli %scan3A_290, %mul3A_297 : i32
          %get3A_299 = arith.index_cast %mul3A_298 : i32 to index
          %get3A_300 = tpu.vector_load %arg12[%get3A_299] {strides = array<i32>} : memref<4096xf32, #tpu.memory_space<vmem>>, vector<16xf32>,
          %gather3A_301 = tpu.vector_load_idx %arg13[%get3A_296] : memref<32xf32, #tpu.memory_space<vmem>>[vector<16xi32>], vector<16xf32>,
          %add3A_302 = arith.constant 1 : i32
          %add3A_303 = vector.broadcast %add3A_302 : i32 to vector<16xi32>
          %add3A_304 = arith.addi %get3A_296, %add3A_303 : vector<16xi32>
          %gather3A_305 = tpu.vector_load_idx %arg13[%add3A_304] : memref<32xf32, #tpu.memory_space<vmem>>[vector<16xi32>], vector<16xf32>,
          %sub3A_306 = arith.subf %gather3A_305, %gather3A_301 : vector<16xf32>
          %mul3A_307 = arith.mulf %get3A_300, %sub3A_306 : vector<16xf32>
          %add3A_308 = arith.addf %gather3A_301, %mul3A_307 : vector<16xf32>
          %mul3A_309 = arith.constant 16 : i32
          %mul3A_310 = arith.muli %scan3A_290, %mul3A_309 : i32
          %swap3A_311 = arith.index_cast %mul3A_310 : i32 to index
          %swap3A_312 = tpu.vector_load %arg11[%swap3A_311] {strides = array<i32>} : memref<4096xf32, #tpu.memory_space<vmem>>, vector<16xf32>,
          tpu.vector_store %arg11[%swap3A_311], %add3A_308 {strides = array<i32>} : memref<4096xf32, #tpu.memory_space<vmem>>, vector<16xf32>,
        }
        %scan3A_106 = arith.constant 256 : i32
        %dma_start3A_107 = arith.constant 12288 : i32
        %dma_start3A_108 = tpu.memref_slice %arg7[%select_n3A, %select_n3A_41, %dma_start3A_107] : memref<30x32x16384xf32, #tpu.memory_space<hbm>> -> memref<1x1x4096xf32, #tpu.memory_space<hbm>>
        %dma_start3A_109 = tpu.memref_squeeze %dma_start3A_108 : memref<1x1x4096xf32, #tpu.memory_space<hbm>> -> memref<4096xf32, #tpu.memory_space<hbm>>
        %dma_start3A_110 = arith.constant 12288 : i32
        %dma_start3A_111 = tpu.memref_slice %arg7[%select_n3A, %select_n3A_41, %dma_start3A_110] : memref<30x32x16384xf32, #tpu.memory_space<hbm>> -> memref<1x1x4096xf32, #tpu.memory_space<hbm>>
        %dma_start3A_112 = tpu.memref_squeeze %dma_start3A_111 : memref<1x1x4096xf32, #tpu.memory_space<hbm>> -> memref<4096xf32, #tpu.memory_space<hbm>>
        tpu.enqueue_dma source(%arg11 : memref<4096xf32, #tpu.memory_space<vmem>>) target(%dma_start3A_112 : memref<4096xf32, #tpu.memory_space<hbm>>) target_semaphore(%arg14 : memref<!tpu.dma_semaphore, #tpu.memory_space<semaphore_mem>>)
        %dma_wait3A_113 = arith.constant 8192 : i32
        %dma_wait3A_114 = tpu.memref_slice %arg7[%select_n3A, %select_n3A_41, %dma_wait3A_113] : memref<30x32x16384xf32, #tpu.memory_space<hbm>> -> memref<1x1x4096xf32, #tpu.memory_space<hbm>>
        %dma_wait3A_115 = tpu.memref_squeeze %dma_wait3A_114 : memref<1x1x4096xf32, #tpu.memory_space<hbm>> -> memref<4096xf32, #tpu.memory_space<hbm>>
        %dma_wait3A_116 = arith.constant 8192 : i32
        %dma_wait3A_117 = tpu.memref_slice %arg7[%select_n3A, %select_n3A_41, %dma_wait3A_116] : memref<30x32x16384xf32, #tpu.memory_space<hbm>> -> memref<1x1x4096xf32, #tpu.memory_space<hbm>>
        %dma_wait3A_118 = tpu.memref_squeeze %dma_wait3A_117 : memref<1x1x4096xf32, #tpu.memory_space<hbm>> -> memref<4096xf32, #tpu.memory_space<hbm>>
        tpu.wait_dma2 semaphore(%arg14 : memref<!tpu.dma_semaphore, #tpu.memory_space<semaphore_mem>>) src(%arg10 : memref<4096xf32, #tpu.memory_space<vmem>>) dst(%dma_wait3A_118 : memref<4096xf32, #tpu.memory_space<hbm>>)
        %dma_wait3A_119 = arith.constant 12288 : i32
        %dma_wait3A_120 = tpu.memref_slice %arg7[%select_n3A, %select_n3A_41, %dma_wait3A_119] : memref<30x32x16384xf32, #tpu.memory_space<hbm>> -> memref<1x1x4096xf32, #tpu.memory_space<hbm>>
        %dma_wait3A_121 = tpu.memref_squeeze %dma_wait3A_120 : memref<1x1x4096xf32, #tpu.memory_space<hbm>> -> memref<4096xf32, #tpu.memory_space<hbm>>
        %dma_wait3A_122 = arith.constant 12288 : i32
        %dma_wait3A_123 = tpu.memref_slice %arg7[%select_n3A, %select_n3A_41, %dma_wait3A_122] : memref<30x32x16384xf32, #tpu.memory_space<hbm>> -> memref<1x1x4096xf32, #tpu.memory_space<hbm>>
        %dma_wait3A_124 = tpu.memref_squeeze %dma_wait3A_123 : memref<1x1x4096xf32, #tpu.memory_space<hbm>> -> memref<4096xf32, #tpu.memory_space<hbm>>
        tpu.wait_dma2 semaphore(%arg14 : memref<!tpu.dma_semaphore, #tpu.memory_space<semaphore_mem>>) src(%arg11 : memref<4096xf32, #tpu.memory_space<vmem>>) dst(%dma_wait3A_124 : memref<4096xf32, #tpu.memory_space<hbm>>)
      } else {
      }
      %ge3A_49 = arith.constant 4 : i32
      %ge3A_50 = arith.cmpi sge, %select_n3A, %ge3A_49 : i32
      %sub3A_51 = arith.constant 4 : i32
      %sub3A_52 = arith.subi %select_n3A, %sub3A_51 : i32
      %jit3A_53 = arith.constant -1 : i32
      %select_n3A_54 = arith.select %ge3A_50, %sub3A_52, %jit3A_53 : i32
      scf.yield %select_n3A_54 : i32
    }
    %scan3A_6 = arith.constant 30 : i32
    return
  }
}

module attributes {stable_mosaic.version = 14 : i64} {
  func.func @_prep_body(%arg0: i32, %arg1: memref<1x1x16384xf32, #tpu.memory_space<vmem>>, %arg2: memref<1x1x32xf32, #tpu.memory_space<vmem>>, %arg3: memref<1x1x16384xi32, #tpu.memory_space<vmem>>, %arg4: memref<1x1x16384xf32, #tpu.memory_space<vmem>>) attributes {dimension_semantics = [#tpu.dimension_semantics<arbitrary>], iteration_bounds = array<i64: 4>, scalar_prefetch = 0 : i64, scratch_operands = 0 : i64, tpu.core_type = #tpu.core_type<tc>, window_params = [{transform_indices = @transform_0, window_bounds = array<i64: 1, 1, 16384>}, {transform_indices = @transform_1, window_bounds = array<i64: 1, 1, 32>}, {transform_indices = @transform_2, window_bounds = array<i64: 1, 1, 16384>}, {transform_indices = @transform_3, window_bounds = array<i64: 1, 1, 16384>}]} {
    %get3A = arith.constant 0 : index
    %get3A_0 = arith.constant 0 : index
    %get3A_1 = arith.constant 0 : index
    %get3A_2 = vector.load %arg1[%get3A, %get3A_0, %get3A_1] : memref<1x1x16384xf32, #tpu.memory_space<vmem>>, vector<1x1x16384xf32>
    %get3A_3 = vector.shape_cast %get3A_2 : vector<1x1x16384xf32> to vector<16384xf32>
    %get3A_4 = arith.constant 0 : index
    %get3A_5 = arith.constant 0 : index
    %get3A_6 = arith.constant 0 : index
    %get3A_7 = vector.load %arg2[%get3A_4, %get3A_5, %get3A_6] : memref<1x1x32xf32, #tpu.memory_space<vmem>>, vector<1x1x32xf32>
    %get3A_8 = vector.shape_cast %get3A_7 : vector<1x1x32xf32> to vector<32xf32>
    %broadcast_in_dim3A = vector.shape_cast %get3A_8 : vector<32xf32> to vector<1x32xf32>
    %broadcast_in_dim3A_9 = vector.shape_cast %get3A_3 : vector<16384xf32> to vector<16384x1xf32>
    %lt3A = vector.broadcast %broadcast_in_dim3A : vector<1x32xf32> to vector<16384x32xf32>
    %lt3A_10 = vector.broadcast %broadcast_in_dim3A_9 : vector<16384x1xf32> to vector<16384x32xf32>
    %lt3A_11 = arith.cmpf olt, %lt3A, %lt3A_10 : vector<16384x32xf32>
    %convert_element_type3A = arith.extui %lt3A_11 : vector<16384x32xi1> to vector<16384x32xi32>
    %reduce_sum3A = arith.constant dense<0> : vector<16384xi32>
    %reduce_sum3A_12 = vector.multi_reduction <add>, %convert_element_type3A, %reduce_sum3A [1] : vector<16384x32xi32> to vector<16384xi32>
    %jit3A = arith.constant 1 : i32
    %jit3A_13 = arith.constant 31 : i32
    %max3A = vector.broadcast %jit3A : i32 to vector<16384xi32>
    %max3A_14 = arith.maxsi %max3A, %reduce_sum3A_12 : vector<16384xi32>
    %min3A = vector.broadcast %jit3A_13 : i32 to vector<16384xi32>
    %min3A_15 = arith.minsi %min3A, %max3A_14 : vector<16384xi32>
    %iota3A = tpu.iota {dimensions = array<i32: 1>} : vector<16384x32xi32>
    %broadcast_in_dim3A_16 = vector.shape_cast %min3A_15 : vector<16384xi32> to vector<16384x1xi32>
    %eq3A = vector.broadcast %broadcast_in_dim3A_16 : vector<16384x1xi32> to vector<16384x32xi32>
    %eq3A_17 = arith.cmpi eq, %iota3A, %eq3A : vector<16384x32xi32>
    %convert_element_type3A_18 = arith.extui %eq3A_17 : vector<16384x32xi1> to vector<16384x32xi32>
    %convert_element_type3A_19 = arith.sitofp %convert_element_type3A_18 : vector<16384x32xi32> to vector<16384x32xf32>
    %broadcast_in_dim3A_20 = vector.shape_cast %min3A_15 : vector<16384xi32> to vector<16384x1xi32>
    %sub3A = arith.constant 1 : i32
    %sub3A_21 = vector.broadcast %sub3A : i32 to vector<16384x1xi32>
    %sub3A_22 = arith.subi %broadcast_in_dim3A_20, %sub3A_21 : vector<16384x1xi32>
    %eq3A_23 = vector.broadcast %sub3A_22 : vector<16384x1xi32> to vector<16384x32xi32>
    %eq3A_24 = arith.cmpi eq, %iota3A, %eq3A_23 : vector<16384x32xi32>
    %convert_element_type3A_25 = arith.extui %eq3A_24 : vector<16384x32xi1> to vector<16384x32xi32>
    %convert_element_type3A_26 = arith.sitofp %convert_element_type3A_25 : vector<16384x32xi32> to vector<16384x32xf32>
    %broadcast_in_dim3A_27 = vector.shape_cast %get3A_8 : vector<32xf32> to vector<1x32xf32>
    %mul3A = vector.broadcast %broadcast_in_dim3A_27 : vector<1x32xf32> to vector<16384x32xf32>
    %mul3A_28 = arith.mulf %convert_element_type3A_19, %mul3A : vector<16384x32xf32>
    %reduce_sum3A_29 = arith.constant dense<0.000000e+00> : vector<16384xf32>
    %reduce_sum3A_30 = vector.multi_reduction <add>, %mul3A_28, %reduce_sum3A_29 [1] : vector<16384x32xf32> to vector<16384xf32>
    %broadcast_in_dim3A_31 = vector.shape_cast %get3A_8 : vector<32xf32> to vector<1x32xf32>
    %mul3A_32 = vector.broadcast %broadcast_in_dim3A_31 : vector<1x32xf32> to vector<16384x32xf32>
    %mul3A_33 = arith.mulf %convert_element_type3A_26, %mul3A_32 : vector<16384x32xf32>
    %reduce_sum3A_34 = arith.constant dense<0.000000e+00> : vector<16384xf32>
    %reduce_sum3A_35 = vector.multi_reduction <add>, %mul3A_33, %reduce_sum3A_34 [1] : vector<16384x32xf32> to vector<16384xf32>
    %sub3A_36 = arith.constant 1 : i32
    %sub3A_37 = vector.broadcast %sub3A_36 : i32 to vector<16384xi32>
    %sub3A_38 = arith.subi %min3A_15, %sub3A_37 : vector<16384xi32>
    %swap3A = arith.constant 0 : index
    %swap3A_39 = arith.constant 0 : index
    %swap3A_40 = arith.constant 0 : index
    %swap3A_41 = vector.load %arg3[%swap3A, %swap3A_39, %swap3A_40] : memref<1x1x16384xi32, #tpu.memory_space<vmem>>, vector<1x1x16384xi32>
    %swap3A_42 = vector.shape_cast %swap3A_41 : vector<1x1x16384xi32> to vector<16384xi32>
    %swap3A_43 = vector.shape_cast %sub3A_38 : vector<16384xi32> to vector<1x1x16384xi32>
    tpu.vector_store %arg3[%swap3A, %swap3A_39, %swap3A_40], %swap3A_43 {strides = array<i32>} : memref<1x1x16384xi32, #tpu.memory_space<vmem>>, vector<1x1x16384xi32>,
    %sub3A_44 = arith.subf %get3A_3, %reduce_sum3A_35 : vector<16384xf32>
    %sub3A_45 = arith.subf %reduce_sum3A_30, %reduce_sum3A_35 : vector<16384xf32>
    %div3A = arith.divf %sub3A_44, %sub3A_45 : vector<16384xf32>
    %swap3A_46 = arith.constant 0 : index
    %swap3A_47 = arith.constant 0 : index
    %swap3A_48 = arith.constant 0 : index
    %swap3A_49 = vector.load %arg4[%swap3A_46, %swap3A_47, %swap3A_48] : memref<1x1x16384xf32, #tpu.memory_space<vmem>>, vector<1x1x16384xf32>
    %swap3A_50 = vector.shape_cast %swap3A_49 : vector<1x1x16384xf32> to vector<16384xf32>
    %swap3A_51 = vector.shape_cast %div3A : vector<16384xf32> to vector<1x1x16384xf32>
    tpu.vector_store %arg4[%swap3A_46, %swap3A_47, %swap3A_48], %swap3A_51 {strides = array<i32>} : memref<1x1x16384xf32, #tpu.memory_space<vmem>>, vector<1x1x16384xf32>,
    return
  }
  func.func @transform_0(%arg0: i32) -> (i32, i32, i32) {
    %c0_i32 = arith.constant 0 : i32
    %c0_i32_0 = arith.constant 0 : i32
    %c0_i32_1 = arith.constant 0 : i32
    return %arg0, %c0_i32, %c0_i32_0 : i32, i32, i32
  }
  func.func @transform_1(%arg0: i32) -> (i32, i32, i32) {
    %c0_i32 = arith.constant 0 : i32
    %c0_i32_0 = arith.constant 0 : i32
    %c0_i32_1 = arith.constant 0 : i32
    return %arg0, %c0_i32, %c0_i32_0 : i32, i32, i32
  }
  func.func @transform_2(%arg0: i32) -> (i32, i32, i32) {
    %c0_i32 = arith.constant 0 : i32
    %c0_i32_0 = arith.constant 0 : i32
    %c0_i32_1 = arith.constant 0 : i32
    return %arg0, %c0_i32, %c0_i32_0 : i32, i32, i32
  }
  func.func @transform_3(%arg0: i32) -> (i32, i32, i32) {
    %c0_i32 = arith.constant 0 : i32
    %c0_i32_0 = arith.constant 0 : i32
    %c0_i32_1 = arith.constant 0 : i32
    return %arg0, %c0_i32, %c0_i32_0 : i32, i32, i32
  }
}

</mosaic_0001>

<sc_bundles>
// kernel: kernel.4.cloned.1.call-start
scs
__scs_entry_jumppad:
0x0: {  	(pc) =	sbr.rel $0x88, $3  }
0x1: {  	(tag) =	ssettag $0x0;
	lr =	simm.s32 $0x1  }
0x2: {  	[smem:$0x3F9D] =	sst lr;
	_ =	strace $0xD0000000  }
0x3: {  	_ = 	snop  }
0x4: {  	_ = 	snop  }
0x5: {  	_ = 	snop  }
0x6: {  	_ = 	snop  }
0x7: {  	_ = 	snop  }
__scs_overlays_trampoline_lowered:
0x8: {  	[smem:$0x3FAC] =	sst s0  }
0x9: {  	[smem:$0x3FAD] =	sst s1  }
0xa: {  	[smem:$0x3FAE] =	sst s2  }
0xb: {  	[smem:$0x3FAF] =	sst s3  }
0xc: {  	[smem:$0x3FB0] =	sst s4  }
0xd: {  	[smem:$0x3FB1] =	sst s5  }
0xe: {  	[smem:$0x3FB2] =	sst s6  }
0xf: {  	[smem:$0x3FB3] =	sst s7  }
0x10: {  	[smem:$0x3FB4] =	sst s8  }
0x11: {  	[smem:$0x3FB5] =	sst s9;
	s0 =	simm.s32 @!p0 $0x0  }
0x12: {  	s1 =	sld [smem:$0x3F9B];
	s0 =	simm.s32 @p0 $0x1  }
0x13: {  	[smem:$0x3FB6] =	sst s0;
	s0 =	simm.s32 @!p1 $0x0  }
0x14: {  	s2 =	sld [smem:$0x3F9A];
	s0 =	simm.s32 @p1 $0x1  }
0x15: {  	[smem:$0x3FB7] =	sst s0;
	s0 =	simm.s32 @!p2 $0x0  }
0x16: {  	s3 =	sld [smem:$0x3FDB];
	s0 =	simm.s32 @p2 $0x1  }
0x17: {  	s4 =	simm.s32 $0x1BF5;
	[smem:$0x3FB9] =	sst s0  }
0x18: {  	s0 =	sld [smem:$0x3F9C];
	_ =	swait.ge [sflag:s4], $0x0  }
0x19: {  	s7 =	sld [smem:$0x3F9D]  }
0x1a: {  	s8 =	sadd.s32 $0xFFFFE003, lr  }
0x1b: {  	s9 =	sadd.s32 $0xFFFFFEF7, lr;
	s5 =	simm.s32 $0xFFFFFFFF;
	p2 =	slt.u32 s8, $0xFFFFF086  }
0x1c: {  	p1 =	slt.u32 s9, $0xF7A;
	s5 =	simm.s32 @!p2 $0x0  }
0x1d: {  	s5 =	simm.s32 @p1 $0x1;
	p0 =	seq.s32 s7, s2  }
0x1e: {  	s7 =	smul.u32 @!p0 $0xF7A, s2;
	p2 =	seq.s32 @!p0 s5, $0x0  }
0x1f: {  	s9 =	smul.u32 $0xF7A, s1;
	s8 =	simm.s32 @!p0 $0x1BF5;
	p2 =	por !p2, p0  }
0x20: {  	[sflag:s8] =	ssyncset.s32 @!p0 $0xFFFFF086;
	s6 =	sadd.s32 @!p0 s3, s7;
	s7 =	simm.s32 @!p0 $0x108  }
0x21: {  	s3 =	sadd.s32 s3, s9;
	s6 =	sadd.s32 @!p0 $0x88, s6;
	s7 =	simm.s32 @p2 $0x1082  }
0x22: {  	[simem:s7], [sflag:s8] =	dma.local @!p0 [hbm:s6], $0xF7A  }
0x23: {  	s9 =	sor.u32 $0xD0000000, s2;
	s6 =	simm.s32 $0x108;
	_ =	swait.ge @!p0 [sflag:s8], $0x0  }
0x24: {  	s3 =	sadd.s32 $0x88, s3;
	s6 =	simm.s32 @!p1 $0x1082;
	[sflag:s4] =	ssyncset.s32 $0xFFFFF086  }
0x25: {  	[simem:s6], [sflag:s4] =	dma.local [hbm:s3], $0xF7A  }
0x26: {  	[smem:$0x3F9D] =	sst s1;
	(tag) =	ssettag s2;
	_ =	strace s9  }
0x27: {  	s1 =	sld [smem:$0x3FAD]  }
0x28: {  	s2 =	sld [smem:$0x3FAE]  }
0x29: {  	s4 =	sld [smem:$0x3FB0]  }
0x2a: {  	p0 =	seq.s32 s5, $0x0;
	s5 =	sld [smem:$0x3FB1]  }
0x2b: {  	s6 =	sld [smem:$0x3FB2]  }
0x2c: {  	s7 =	sld [smem:$0x3FB3]  }
0x2d: {  	s3 =	simm.s32 $0x108;
	s8 =	sld [smem:$0x3FB4]  }
0x2e: {  	s3 =	simm.s32 @!p0 $0x1082;
	s9 =	sld [smem:$0x3FB5]  }
0x2f: {  	lr =	sadd.s32 s0, s3;
	s0 =	sld [smem:$0x3FAC]  }
0x30: {  	s3 =	sld [smem:$0x3FAF]  }
0x31: {  	[smem:$0x3FB8] =	sst s10  }
0x32: {  	s10 =	sld [smem:$0x3FB6];
	_ =	sdelay $0x3  }
0x33: {  	p0 =	seq.s32 s10, $0x1;
	s10 =	sld [smem:$0x3FB8];
	_ =	sdelay $0x3  }
0x34: {  	[smem:$0x3FB8] =	sst s10  }
0x35: {  	s10 =	sld [smem:$0x3FB7];
	_ =	sdelay $0x3  }
0x36: {  	p1 =	seq.s32 s10, $0x1;
	s10 =	sld [smem:$0x3FB8];
	_ =	sdelay $0x3  }
0x37: {  	[smem:$0x3FB8] =	sst s10  }
0x38: {  	s10 =	sld [smem:$0x3FB9]  }
0x39: {  	_ = 	snop;
	(pc) =	sbr.ind lr, $3  }
0x3a: {  	_ = 	snop  }
0x3b: {  	_ = 	snop  }
0x3c: {  	p2 =	seq.s32 s10, $0x1;
	s10 =	sld [smem:$0x3FB8]  }
0x3d: {  	_ =	shalt  }
0x3e: {  	_ =	shalt  }
0x3f: {  	_ =	shalt  }
0x40: {  	_ =	shalt  }
0x41: {  	_ =	shalt  }
0x42: {  	_ =	shalt  }
0x43: {  	_ =	shalt  }
0x44: {  	_ =	shalt  }
0x45: {  	_ =	shalt  }
0x46: {  	_ =	shalt  }
0x47: {  	_ =	shalt  }
0x48: {  	_ =	shalt  }
0x49: {  	_ =	shalt  }
0x4a: {  	_ =	shalt  }
0x4b: {  	_ =	shalt  }
0x4c: {  	_ =	shalt  }
0x4d: {  	_ =	shalt  }
0x4e: {  	_ =	shalt  }
0x4f: {  	_ =	shalt  }
0x50: {  	_ =	shalt  }
0x51: {  	_ =	shalt  }
0x52: {  	_ =	shalt  }
0x53: {  	_ =	shalt  }
0x54: {  	_ =	shalt  }
0x55: {  	_ =	shalt  }
0x56: {  	_ =	shalt  }
0x57: {  	_ =	shalt  }
0x58: {  	_ =	shalt  }
0x59: {  	_ =	shalt  }
0x5a: {  	_ =	shalt  }
0x5b: {  	_ =	shalt  }
0x5c: {  	_ =	shalt  }
0x5d: {  	_ =	shalt  }
0x5e: {  	_ =	shalt  }
0x5f: {  	_ =	shalt  }
0x60: {  	_ =	shalt  }
0x61: {  	_ =	shalt  }
0x62: {  	_ =	shalt  }
0x63: {  	_ =	shalt  }
0x64: {  	_ =	shalt  }
0x65: {  	_ =	shalt  }
0x66: {  	_ =	shalt  }
0x67: {  	_ =	shalt  }
0x68: {  	_ =	shalt  }
0x69: {  	_ =	shalt  }
0x6a: {  	_ =	shalt  }
0x6b: {  	_ =	shalt  }
0x6c: {  	_ =	shalt  }
0x6d: {  	_ =	shalt  }
0x6e: {  	_ =	shalt  }
0x6f: {  	_ =	shalt  }
0x70: {  	_ =	shalt  }
0x71: {  	_ =	shalt  }
0x72: {  	_ =	shalt  }
0x73: {  	_ =	shalt  }
0x74: {  	_ =	shalt  }
0x75: {  	_ =	shalt  }
0x76: {  	_ =	shalt  }
0x77: {  	_ =	shalt  }
0x78: {  	_ =	shalt  }
0x79: {  	_ =	shalt  }
0x7a: {  	_ =	shalt  }
0x7b: {  	_ =	shalt  }
0x7c: {  	_ =	shalt  }
0x7d: {  	_ =	shalt  }
0x7e: {  	_ =	shalt  }
0x7f: {  	_ =	shalt  }
0x80: {  	_ =	shalt  }
0x81: {  	_ =	shalt  }
0x82: {  	_ =	shalt  }
0x83: {  	_ =	shalt  }
0x84: {  	_ =	shalt  }
0x85: {  	_ =	shalt  }
0x86: {  	_ =	shalt  }
0x87: {  	_ =	shalt  }
.Lfunc_end0:
.L_simem_size_0:
called_computation_lowered:
.L_overlay_start_0:
0x88: {  	s2 =	sld [smem:$0x3FD9]  }
0x89: {  	s3 =	sld [smem:$0x3FFE];
	_ =	sdelay $0x1  }
0x8a: {  	s1 =	srdreg.scid  }
0x8b: {  	s0 =	sand.u32 $0x1, s1  }
0x8c: {  	s17 =	sshll.u32 s0, $0xA;
	s2 =	sadd.s32 s3, s2  }
0x8d: {  	s2 =	sadd.s32 s2, s17  }
0x8e: {  	[smem:$0x3FC4] =	sst s2  }
0x8f: {  	_ = 	snop  }
0x90: {  	s2 =	sld [smem:$0x3FC6]  }
0x91: {  	s18 =	sld [smem:$0x3FD0];
	(tm) =	ssettm $0x1  }
0x92: {  	s4 =	sld [smem:$0x3FFB];
	_ =	sdelay $0x3  }
0x93: {  	_ =	strace s4  }
0x94: {  	s4 =	sld [smem:$0x3FFC];
	_ =	sdelay $0x3  }
0x95: {  	_ =	strace s4  }
0x96: {  	s4 =	sld [smem:$0x3FFD];
	_ =	sdelay $0x3  }
0x97: {  	_ =	strace s4  }
0x98: {  	_ =	strace $0x8FFFFFFF  }
0x99: {  	s19 =	sld [smem:$0x3FDB];
	_ =	sdelay $0x1  }
0x9a: {  	s5 =	simm.s32 $_scs_section_size  }
0x9b: {  	s6 =	simm.s32 $_size__tile_overlayer_lowered;
	s7 =	simm.s32 $_tile_overlayer_lowered  }
0x9c: {  	s22 =	simm.s32 $0x1BFF;
	s21 =	sshll.u32 s7, $0x1;
	s4 =	sadd.s32 s5, s19  }
0x9d: {  	s8 =	simm.s32 $0x0;
	s20 =	sshll.u32 s6, $0x1;
	s6 =	sadd.s32 s21, s4  }
0x9e: {  	[timem:s8], [sflag:s22] =	dma.local [hbm:s6], s20  }
0x9f: {  	_ =	swait.ge [sflag:s22], s20  }
0xa0: {  	s5 =	ssub.s32 $0x0, s20;
	[sflag:s22] =	ssyncset.done $0x0  }
0xa1: {  	[sflag:s22] =	ssyncadd.s32 s5;
	_ =	sdelay $0x1  }
0xa2: {  	s23 =	simm.s32 $0x1B8B  }
0xa3: {  	_ =	swait.ge [sflag:s23], $0x1  }
0xa4: {  	[sflag:s23] =	ssyncset.done $0x0  }
0xa5: {  	s25 =	simm.s32 $0x1B8E;
	s24 =	sld [smem:$0x3FFE];
	[sflag:s23] =	ssyncadd.s32 $0xFFFFFFFF  }
0xa6: {  	s26 =	simm.s32 $execute0_lowered;
	[smem:$0x3FD2] =	sst s25  }
0xa7: {  	s6 =	sshll.u32 s26, $0x1;
	_ =	strace $0x80000046;
	[dreg:$0x1] =	wrdreg $0xFFFFFFFF  }
0xa8: {  	s28 =	simm.s32 $_size_execute0_lowered;
	s4 =	sadd.s32 s4, s6;
	[dreg:$0x0] =	wrdreg $0x0  }
0xa9: {  	s6 =	sshll.u32 s28, $0x1;
	[dreg:$0x2] =	wrdreg s4  }
0xaa: {  	[dreg:$0x3] =	wrdreg s6  }
0xab: {  	[dreg:$0x4] =	wrdreg $0xC0  }
0xac: {  	_ =	task [dreg:s8], $0x5FFFF  }
0xad: {  	[dreg:$0x1] =	wrdreg $0xFFFFFFFF  }
0xae: {  	[dreg:$0x0] =	wrdreg $0x60  }
0xaf: {  	[dreg:$0x2] =	wrdreg s2  }
0xb0: {  	[dreg:$0x3] =	wrdreg s24  }
0xb1: {  	[dreg:$0x4] =	wrdreg s18  }
0xb2: {  	[dreg:$0x5] =	wrdreg $0x9  }
0xb3: {  	_ =	task.clear_ibuf [dreg:s8], $0x6FFFF;
	_ =	strace $0x90000046  }
0xb4: {  	s29 =	simm.s32 $0x9;
	_ =	strace $0x80000048  }
0xb5: {  	_ =	swait.ge [sflag:s29], $0x1  }
0xb6: {  	[sflag:s29] =	ssyncadd.s32 $0xFFFFFFFF  }
0xb7: {  	_ =	strace $0x90000048  }
0xb8: {  	_ =	sfence  }
0xb9: {  	s30 =	sld [smem:$0x0];
	_ =	sdelay $0x2  }
0xba: {  	s31 =	sshll.u32 s1, $0xD;
	s1 =	sshrl.u32 s1, $0x2  }
0xbb: {  	s3 =	sand.u32 $0x4000, s31;
	s1 =	sadd.s32 s1, s30  }
0xbc: {  	s0 =	sor.u32 s3, s0;
	s1 =	sshll.u32 s1, $0x11  }
0xbd: {  	s0 =	sor.u32 s1, s0  }
0xbe: {  	s0 =	sadd.s32 $0x8F2B, s0  }
0xbf: {  	[sflag:s0] =	ssyncadd.remote.s32 $0x1  }
0xc0: {  	_ =	sfence.sel $0xFFFF  }
0xc1: {  	[dreg:$0x0] =	wrdreg $0xFFFFFFFF;
	(pc) =	sbr.abs _section_cstart, $3  }
0xc2: {  	[dreg:$0x1] =	wrdreg $0xFFFFFFFF  }
0xc3: {  	_ =	task.clear_ibuf [dreg:s8], $0x2FFFF;
	_ =	strace $0x9FFFFFFF  }
0xc4: {  	(tm) =	ssettm $0x7FFFFFFF  }
0xc5: {  	_ =	shalt  }
tec
execute0_lowered:
.L_overlay_start_1:
0x0: {  	(tag) =	ssettag $0x1  }
0x1: {  	s0 =	rddreg [dreg:$0x1]  }
0x2: {  	s2 =	rddreg [dreg:$0x2];
	s3 =	simm.s32 $0x0;
	s1 =	srdreg.scid  }
0x3: {  	s7 =	stileid.u32;
	s17 =	simm.s32 $0x80;
	s18 =	simm.s32 $0x400  }
0x4: {  	s19 =	simm.s32 $0x2;
	s20 =	simm.s32 $0x1C700;
	s21 =	simm.s32 $0x1D700  }
0x5: {  	s22 =	simm.s32 $0x1;
	s23 =	simm.s32 $0x1F700;
	s24 =	simm.s32 $0x200  }
0x6: {  	s26 =	simm.s32 $0x1E700;
	[smem:$0x7FF] =	sst s3;
	s5 =	sadd.s32 $0xA00, s0  }
0x7: {  	s1 =	sand.u32 $0x1, s1;
	s6 =	sadd.s32 $0x11200, s0;
	s8 =	sshll.u32 s7, $0x1  }
0x8: {  	s7 =	sadd.s32 $0x13200, s0;
	s10 =	sadd.s32 $0x13A00, s0;
	s11 =	sadd.s32 $0x1000, s2  }
.Ltmp0:
0x9: {  	s12 =	sadd.s32 $0x14200, s0;
	s4 =	ssub.s32 $0x2, s1;
	(pc) =	sbr.rel .LBB2_1-.Ltmp0, $4  }
0xa: {  	s13 =	sadd.s32 $0x2000, s2;
	s14 =	sadd.s32 $0x14A00, s0;
	s9 =	sshrl.u32 s4, $0x1  }
0xb: {  	s15 =	sadd.s32 $0x3000, s2;
	_ =	strace $0x80000047;
	s4 =	ssub.s32 s4, s9  }
0xc: {  	s1 =	sor.u32 s1, s8;
	s8 =	sadd.s32 $0x10A00, s0;
	s31 =	smax.u32 s4, $0x1  }
0xd: {  	s9 =	smul.u32 $0x1E, s1;
	s1 =	simm.s32 $0x0;
	[dreg:$0x4] =	wrdreg s31  }
.LBB2_20:
0xe: {  	s1 =	rddreg [dreg:$0x5]  }
0xf: {  	s0 =	rddreg [dreg:$0x4];
	s1 =	sadd.s32 $0x1, s1  }
0x10: {  	p0 =	sne.s32 s1, s0  }
.Ltmp1:
0x11: {  	_ = 	snop;
	(pc) =	sbr.rel @!p0 .LBB2_21-.Ltmp1, $1  }
0x12: {  	_ =	sdelay $0x3  }
.LBB2_1:
.Ltmp2:
0x13: {  	(pc) =	sbr.rel .LBB2_2-.Ltmp2, $2  }
0x14: {  	_ =	sdelay $0x2  }
0x15: {  	[dreg:$0x5] =	wrdreg s1;
	s0 =	simm.s32 $0xFFFFFFFF;
	s29 =	simm.s32 $0x0  }
.LBB2_19:
0x16: {  	s0 =	sadd.s32 s31, s15;
	s29 =	sadd.s32 $0x1, s29  }
0x17: {  	[hbm4b:s0+s17] =	stream.strided.scatter [tilespmem:s21], [sflag:$0x1], $0x1000, s18, s17, $0x38;
	[tilespmem:$0x1F780] =	vst v63  }
0x18: {  	p0 =	sne.s32 s29, $0x1E;
	_ =	swait.ge [sflag:s22], $0x1000  }
.Ltmp3:
0x19: {  	[sflag:s22] =	ssyncset.done $0x0;
	(pc) =	sbr.rel @!p0 .LBB2_20-.Ltmp3, $4  }
0x1a: {  	[sflag:s22] =	ssyncadd.s32 $0xFFFFF000  }
0x1b: {  	_ =	swait.ge [sflag:s22], $0x1000  }
0x1c: {  	s31 =	smax.u32 s30, $0x3;
	[sflag:s22] =	ssyncset.done $0x0  }
0x1d: {  	s0 =	sadd.s32 $0xFFFFFFFC, s31;
	[sflag:s22] =	ssyncadd.s32 $0xFFFFF000  }
.LBB2_2:
0x1e: {  	s4 =	sadd.s32 s9, s29  }
0x1f: {  	p0 =	slt.u32 s4, $0x80  }
.Ltmp4:
0x20: {  	_ = 	snop;
	(pc) =	sbr.rel @p0 .LBB2_11-.Ltmp4, $2  }
0x21: {  	_ =	sdelay $0x2  }
0x22: {  	s30 =	sshrl.u32 s4, $0x5;
	s1 =	sand.u32 $0x1F, s4  }
0x23: {  	s4 =	sadd.s32 $0xFFFFFFFC, s30  }
0x24: {  	p0 =	seq.s32 s4, s0  }
0x25: {  	s0 =	sshll.u32 @!p0 s4, $0xE;
	s16 =	sshll.u32 @!p0 s4, $0x7  }
0x26: {  	s0 =	sand.u32 @!p0 $0x7FFE0000, s0;
	s16 =	sand.u32 @!p0 $0x380, s16  }
0x27: {  	s0 =	sor.u32 @!p0 s16, s0  }
0x28: {  	s25 =	simm.s32 @!p0 $0x400;
	s0 =	sshrl.u32 @!p0 s0, $0x3  }
0x29: {  	s28 =	simm.s32 @!p0 $0x18700;
	s16 =	simm.s32 @!p0 $0x80;
	s0 =	sadd.s32 @!p0 s5, s0  }
0x2a: {  	[tilespmem:s28], [sflag:$0x2] =	stream.strided.gather @!p0 [hbm4b:s0+s16], $0x4000, s25, s16, $0x38;
	[tilespmem:$0x1F780] =	vst v63  }
0x2b: {  	s4 =	smul.u32 $0x30E000, s4;
	s0 =	sshrl.u32 s1, $0x3  }
0x2c: {  	s25 =	simm.s32 @!p0 $0x2;
	s31 =	smul.u32 $0xC3800, s0  }
0x2d: {  	s28 =	sshll.u32 s1, $0x7;
	_ =	swait.ge @!p0 [sflag:s25], $0x4000  }
0x2e: {  	s1 =	sand.u32 $0x380, s28;
	[sflag:s25] =	ssyncset.done @!p0 $0x0;
	s4 =	sadd.s32 s31, s4  }
0x2f: {  	[sflag:s25] =	ssyncadd.s32 @!p0 $0xFFFFC000;
	s4 =	sor.u32 s1, s4  }
0x30: {  	s31 =	rddreg [dreg:$0x0];
	s4 =	sshrl.u32 s4, $0x3  }
0x31: {  	s4 =	sadd.s32 s31, s4  }
0x32: {  	[tilespmem:s3], [sflag:$0x2] =	stream.strided.gather [hbm4b:s4+s17], $0x18700, s18, s17, $0x38;
	[tilespmem:$0x1F780] =	vst v63  }
0x33: {  	_ =	swait.ge [sflag:s19], $0x18700  }
0x34: {  	s16 =	simm.s32 $0x18740;
	[sflag:s19] =	ssyncset.done $0x0  }
0x35: {  	s25 =	simm.s32 $0x1C740;
	s4 =	simm.s32 $0xFFFFFFF8;
	[sflag:s19] =	ssyncadd.s32 $0xFFFE7900  }
.LBB2_4:
0x36: {  	v0 =	vld [tilespmem:s16+$0xFFFFFFC0];
	_ =	sdelay $0x7  }
0x37: {  	v0 =	vld.idx.msk [tilespmem:v0+s3+$0x0], $0xffff;
	_ =	sdelay $0x4  }
0x38: {  	[tilespmem:s25+$0xFFFFFFC0] =	vst v0  }
0x39: {  	v0 =	vld [tilespmem:s16+$0xFFFFFFD0];
	_ =	sdelay $0x7  }
0x3a: {  	v0 =	vld.idx.msk [tilespmem:v0+s3+$0x0], $0xffff;
	_ =	sdelay $0x4  }
0x3b: {  	[tilespmem:s25+$0xFFFFFFD0] =	vst v0  }
0x3c: {  	v0 =	vld [tilespmem:s16+$0xFFFFFFE0];
	_ =	sdelay $0x7  }
0x3d: {  	v0 =	vld.idx.msk [tilespmem:v0+s3+$0x0], $0xffff;
	_ =	sdelay $0x4  }
0x3e: {  	[tilespmem:s25+$0xFFFFFFE0] =	vst v0  }
0x3f: {  	v0 =	vld [tilespmem:s16+$0xFFFFFFF0];
	_ =	sdelay $0x7  }
0x40: {  	v0 =	vld.idx.msk [tilespmem:v0+s3+$0x0], $0xffff;
	_ =	sdelay $0x4  }
0x41: {  	[tilespmem:s25+$0xFFFFFFF0] =	vst v0  }
0x42: {  	v0 =	vld [tilespmem:s16+$0x0];
	_ =	sdelay $0x7  }
0x43: {  	v0 =	vld.idx.msk [tilespmem:v0+s3+$0x0], $0xffff;
	_ =	sdelay $0x4  }
0x44: {  	[tilespmem:s25+$0x0] =	vst v0  }
0x45: {  	v0 =	vld [tilespmem:s16+$0x10];
	_ =	sdelay $0x7  }
0x46: {  	v0 =	vld.idx.msk [tilespmem:v0+s3+$0x0], $0xffff;
	_ =	sdelay $0x4  }
0x47: {  	[tilespmem:s25+$0x10] =	vst v0  }
0x48: {  	v0 =	vld [tilespmem:s16+$0x20];
	_ =	sdelay $0x7  }
0x49: {  	v0 =	vld.idx.msk [tilespmem:v0+s3+$0x0], $0xffff;
	_ =	sdelay $0x4  }
0x4a: {  	[tilespmem:s25+$0x20] =	vst v0  }
0x4b: {  	v0 =	vld [tilespmem:s16+$0x30];
	_ =	sdelay $0x6  }
0x4c: {  	s4 =	sadd.s32 $0x8, s4  }
0x4d: {  	p0 =	slt.u32 s4, $0xF8;
	v0 =	vld.idx.msk [tilespmem:v0+s3+$0x0], $0xffff  }
.Ltmp5:
0x4e: {  	_ = 	snop;
	(pc) =	sbr.rel @p0 .LBB2_4-.Ltmp5, $2  }
0x4f: {  	_ =	sdelay $0x2  }
0x50: {  	s16 =	sadd.s32 $0x80, s16;
	[tilespmem:s25+$0x30] =	vst v0;
	s25 =	sadd.s32 $0x80, s25  }
0x51: {  	s4 =	sshll.u32 s30, $0x13;
	s0 =	sshll.u32 s0, $0x11  }
0x52: {  	s0 =	sor.u32 s4, s0  }
0x53: {  	s0 =	sor.u32 s1, s0  }
0x54: {  	s31 =	sshrl.u32 s0, $0x3  }
0x55: {  	s0 =	sadd.s32 s2, s31  }
0x56: {  	[hbm4b:s0+s17] =	stream.strided.scatter [tilespmem:s20], [sflag:$0x1], $0x1000, s18, s17, $0x38;
	[tilespmem:$0x1F780] =	vst v63  }
0x57: {  	s4 =	simm.s32 $0x1D740;
	s1 =	simm.s32 $0x19770;
	s0 =	simm.s32 $0xFFFFFFF8  }
.LBB2_6:
0x58: {  	v0 =	vld [tilespmem:s1+$0xFFFFFF90];
	_ =	sdelay $0x7  }
0x59: {  	v0 =	vld.idx.msk [tilespmem:v0+s3+$0x0], $0xffff;
	_ =	sdelay $0x4  }
0x5a: {  	[tilespmem:s4+$0xFFFFFFC0] =	vst v0  }
0x5b: {  	v0 =	vld [tilespmem:s1+$0xFFFFFFA0];
	_ =	sdelay $0x7  }
0x5c: {  	v0 =	vld.idx.msk [tilespmem:v0+s3+$0x0], $0xffff;
	_ =	sdelay $0x4  }
0x5d: {  	[tilespmem:s4+$0xFFFFFFD0] =	vst v0  }
0x5e: {  	v0 =	vld [tilespmem:s1+$0xFFFFFFB0];
	_ =	sdelay $0x7  }
0x5f: {  	v0 =	vld.idx.msk [tilespmem:v0+s3+$0x0], $0xffff;
	_ =	sdelay $0x4  }
0x60: {  	[tilespmem:s4+$0xFFFFFFE0] =	vst v0  }
0x61: {  	v0 =	vld [tilespmem:s1+$0xFFFFFFC0];
	_ =	sdelay $0x7  }
0x62: {  	v0 =	vld.idx.msk [tilespmem:v0+s3+$0x0], $0xffff;
	_ =	sdelay $0x4  }
0x63: {  	[tilespmem:s4+$0xFFFFFFF0] =	vst v0  }
0x64: {  	v0 =	vld [tilespmem:s1+$0xFFFFFFD0];
	_ =	sdelay $0x7  }
0x65: {  	v0 =	vld.idx.msk [tilespmem:v0+s3+$0x0], $0xffff;
	_ =	sdelay $0x4  }
0x66: {  	[tilespmem:s4+$0x0] =	vst v0  }
0x67: {  	v0 =	vld [tilespmem:s1+$0xFFFFFFE0];
	_ =	sdelay $0x7  }
0x68: {  	v0 =	vld.idx.msk [tilespmem:v0+s3+$0x0], $0xffff;
	_ =	sdelay $0x4  }
0x69: {  	[tilespmem:s4+$0x10] =	vst v0  }
0x6a: {  	v0 =	vld [tilespmem:s1+$0xFFFFFFF0];
	_ =	sdelay $0x7  }
0x6b: {  	v0 =	vld.idx.msk [tilespmem:v0+s3+$0x0], $0xffff;
	_ =	sdelay $0x4  }
0x6c: {  	[tilespmem:s4+$0x20] =	vst v0  }
0x6d: {  	v0 =	vld [tilespmem:s1+$0x0];
	_ =	sdelay $0x6  }
0x6e: {  	s0 =	sadd.s32 $0x8, s0  }
0x6f: {  	p0 =	slt.u32 s0, $0xF8;
	v0 =	vld.idx.msk [tilespmem:v0+s3+$0x0], $0xffff  }
.Ltmp6:
0x70: {  	_ = 	snop;
	(pc) =	sbr.rel @p0 .LBB2_6-.Ltmp6, $2  }
0x71: {  	_ =	sdelay $0x2  }
0x72: {  	s1 =	sadd.s32 $0x80, s1;
	[tilespmem:s4+$0x30] =	vst v0;
	s4 =	sadd.s32 $0x80, s4  }
0x73: {  	s0 =	sadd.s32 s31, s11  }
0x74: {  	[hbm4b:s0+s17] =	stream.strided.scatter [tilespmem:s21], [sflag:$0x1], $0x1000, s18, s17, $0x38;
	[tilespmem:$0x1F780] =	vst v63  }
0x75: {  	_ =	swait.ge [sflag:s22], $0x1000  }
0x76: {  	s1 =	simm.s32 $0x1A770;
	[sflag:s22] =	ssyncset.done $0x0  }
0x77: {  	s4 =	simm.s32 $0x1C740;
	s0 =	simm.s32 $0xFFFFFFF8;
	[sflag:s22] =	ssyncadd.s32 $0xFFFFF000  }
.LBB2_8:
0x78: {  	v0 =	vld [tilespmem:s1+$0xFFFFFF90];
	_ =	sdelay $0x7  }
0x79: {  	v0 =	vld.idx.msk [tilespmem:v0+s3+$0x0], $0xffff;
	_ =	sdelay $0x4  }
0x7a: {  	[tilespmem:s4+$0xFFFFFFC0] =	vst v0  }
0x7b: {  	v0 =	vld [tilespmem:s1+$0xFFFFFFA0];
	_ =	sdelay $0x7  }
0x7c: {  	v0 =	vld.idx.msk [tilespmem:v0+s3+$0x0], $0xffff;
	_ =	sdelay $0x4  }
0x7d: {  	[tilespmem:s4+$0xFFFFFFD0] =	vst v0  }
0x7e: {  	v0 =	vld [tilespmem:s1+$0xFFFFFFB0];
	_ =	sdelay $0x7  }
0x7f: {  	v0 =	vld.idx.msk [tilespmem:v0+s3+$0x0], $0xffff;
	_ =	sdelay $0x4  }
0x80: {  	[tilespmem:s4+$0xFFFFFFE0] =	vst v0  }
0x81: {  	v0 =	vld [tilespmem:s1+$0xFFFFFFC0];
	_ =	sdelay $0x7  }
0x82: {  	v0 =	vld.idx.msk [tilespmem:v0+s3+$0x0], $0xffff;
	_ =	sdelay $0x4  }
0x83: {  	[tilespmem:s4+$0xFFFFFFF0] =	vst v0  }
0x84: {  	v0 =	vld [tilespmem:s1+$0xFFFFFFD0];
	_ =	sdelay $0x7  }
0x85: {  	v0 =	vld.idx.msk [tilespmem:v0+s3+$0x0], $0xffff;
	_ =	sdelay $0x4  }
0x86: {  	[tilespmem:s4+$0x0] =	vst v0  }
0x87: {  	v0 =	vld [tilespmem:s1+$0xFFFFFFE0];
	_ =	sdelay $0x7  }
0x88: {  	v0 =	vld.idx.msk [tilespmem:v0+s3+$0x0], $0xffff;
	_ =	sdelay $0x4  }
0x89: {  	[tilespmem:s4+$0x10] =	vst v0  }
0x8a: {  	v0 =	vld [tilespmem:s1+$0xFFFFFFF0];
	_ =	sdelay $0x7  }
0x8b: {  	v0 =	vld.idx.msk [tilespmem:v0+s3+$0x0], $0xffff;
	_ =	sdelay $0x4  }
0x8c: {  	[tilespmem:s4+$0x20] =	vst v0  }
0x8d: {  	v0 =	vld [tilespmem:s1+$0x0];
	_ =	sdelay $0x6  }
0x8e: {  	s0 =	sadd.s32 $0x8, s0  }
0x8f: {  	p0 =	slt.u32 s0, $0xF8;
	v0 =	vld.idx.msk [tilespmem:v0+s3+$0x0], $0xffff  }
.Ltmp7:
0x90: {  	_ = 	snop;
	(pc) =	sbr.rel @p0 .LBB2_8-.Ltmp7, $2  }
0x91: {  	_ =	sdelay $0x2  }
0x92: {  	s1 =	sadd.s32 $0x80, s1;
	[tilespmem:s4+$0x30] =	vst v0;
	s4 =	sadd.s32 $0x80, s4  }
0x93: {  	s0 =	sadd.s32 s31, s13  }
0x94: {  	[hbm4b:s0+s17] =	stream.strided.scatter [tilespmem:s20], [sflag:$0x1], $0x1000, s18, s17, $0x38;
	[tilespmem:$0x1F780] =	vst v63  }
0x95: {  	_ =	swait.ge [sflag:s22], $0x1000  }
0x96: {  	s1 =	simm.s32 $0x1B770;
	[sflag:s22] =	ssyncset.done $0x0  }
0x97: {  	s4 =	simm.s32 $0x1D740;
	s0 =	simm.s32 $0xFFFFFFF8;
	[sflag:s22] =	ssyncadd.s32 $0xFFFFF000  }
.LBB2_10:
0x98: {  	v0 =	vld [tilespmem:s1+$0xFFFFFF90];
	_ =	sdelay $0x7  }
0x99: {  	v0 =	vld.idx.msk [tilespmem:v0+s3+$0x0], $0xffff;
	_ =	sdelay $0x4  }
0x9a: {  	[tilespmem:s4+$0xFFFFFFC0] =	vst v0  }
0x9b: {  	v0 =	vld [tilespmem:s1+$0xFFFFFFA0];
	_ =	sdelay $0x7  }
0x9c: {  	v0 =	vld.idx.msk [tilespmem:v0+s3+$0x0], $0xffff;
	_ =	sdelay $0x4  }
0x9d: {  	[tilespmem:s4+$0xFFFFFFD0] =	vst v0  }
0x9e: {  	v0 =	vld [tilespmem:s1+$0xFFFFFFB0];
	_ =	sdelay $0x7  }
0x9f: {  	v0 =	vld.idx.msk [tilespmem:v0+s3+$0x0], $0xffff;
	_ =	sdelay $0x4  }
0xa0: {  	[tilespmem:s4+$0xFFFFFFE0] =	vst v0  }
0xa1: {  	v0 =	vld [tilespmem:s1+$0xFFFFFFC0];
	_ =	sdelay $0x7  }
0xa2: {  	v0 =	vld.idx.msk [tilespmem:v0+s3+$0x0], $0xffff;
	_ =	sdelay $0x4  }
0xa3: {  	[tilespmem:s4+$0xFFFFFFF0] =	vst v0  }
0xa4: {  	v0 =	vld [tilespmem:s1+$0xFFFFFFD0];
	_ =	sdelay $0x7  }
0xa5: {  	v0 =	vld.idx.msk [tilespmem:v0+s3+$0x0], $0xffff;
	_ =	sdelay $0x4  }
0xa6: {  	[tilespmem:s4+$0x0] =	vst v0  }
0xa7: {  	v0 =	vld [tilespmem:s1+$0xFFFFFFE0];
	_ =	sdelay $0x7  }
0xa8: {  	v0 =	vld.idx.msk [tilespmem:v0+s3+$0x0], $0xffff;
	_ =	sdelay $0x4  }
0xa9: {  	[tilespmem:s4+$0x10] =	vst v0  }
0xaa: {  	v0 =	vld [tilespmem:s1+$0xFFFFFFF0];
	_ =	sdelay $0x7  }
0xab: {  	v0 =	vld.idx.msk [tilespmem:v0+s3+$0x0], $0xffff;
	_ =	sdelay $0x4  }
0xac: {  	[tilespmem:s4+$0x20] =	vst v0  }
0xad: {  	v0 =	vld [tilespmem:s1+$0x0];
	_ =	sdelay $0x6  }
0xae: {  	s0 =	sadd.s32 $0x8, s0  }
0xaf: {  	p0 =	slt.u32 s0, $0xF8;
	v0 =	vld.idx.msk [tilespmem:v0+s3+$0x0], $0xffff  }
.Ltmp8:
0xb0: {  	_ = 	snop;
	(pc) =	sbr.rel @p0 .LBB2_10-.Ltmp8, $2  }
0xb1: {  	_ =	sdelay $0x2  }
0xb2: {  	s1 =	sadd.s32 $0x80, s1;
	[tilespmem:s4+$0x30] =	vst v0;
	s4 =	sadd.s32 $0x80, s4  }
.Ltmp9:
0xb3: {  	_ = 	snop;
	(pc) =	sbr.rel .LBB2_19-.Ltmp9, $1  }
0xb4: {  	_ =	sdelay $0x3  }
.LBB2_11:
0xb5: {  	s31 =	sshrl.u32 s1, $0x3  }
0xb6: {  	s0 =	sshll.u32 s4, $0x7;
	s25 =	sshll.u32 s30, $0xC;
	s16 =	sshll.u32 s31, $0xA  }
0xb7: {  	s4 =	sand.u32 $0x380, s0;
	s1 =	sor.u32 s25, s16  }
0xb8: {  	s0 =	sor.u32 s4, s1  }
0xb9: {  	s0 =	sshrl.u32 s0, $0x3  }
0xba: {  	s0 =	sadd.s32 s8, s0  }
0xbb: {  	[tilespmem:s23], [sflag:$0x2] =	stream.linear.gather [hbm4b:s0+s3], $0x80, $0x38;
	[tilespmem:$0x1F780] =	vst v63  }
0xbc: {  	_ =	swait.ge [sflag:s19], $0x80  }
0xbd: {  	s0 =	sshll.u32 s30, $0x4;
	[sflag:s19] =	ssyncset.done $0x0  }
0xbe: {  	s25 =	simm.s32 $0x18700;
	s16 =	sadd.s32 s6, s0;
	[sflag:s19] =	ssyncadd.s32 $0xFFFFFF80  }
0xbf: {  	[tilespmem:s25], [sflag:$0x2] =	stream.strided.gather [hbm4b:s16+s17], $0x4000, s24, s17, $0x38;
	[tilespmem:$0x1F780] =	vst v63  }
0xc0: {  	_ =	swait.ge [sflag:s19], $0x4000  }
0xc1: {  	[sflag:s19] =	ssyncset.done $0x0  }
0xc2: {  	s25 =	sadd.s32 s7, s0;
	[sflag:s19] =	ssyncadd.s32 $0xFFFFC000  }
0xc3: {  	[tilespmem:s26], [sflag:$0x2] =	stream.strided.gather [hbm4b:s25+s17], $0x1000, s24, s17, $0x38;
	[tilespmem:$0x1F780] =	vst v63  }
0xc4: {  	_ =	swait.ge [sflag:s19], $0x1000  }
0xc5: {  	s28 =	simm.s32 $0x18740;
	s1 =	simm.s32 $0x1E740;
	[sflag:s19] =	ssyncset.done $0x0  }
0xc6: {  	s16 =	simm.s32 $0xFFFFFFF8;
	s25 =	simm.s32 $0x1C740;
	[sflag:s19] =	ssyncadd.s32 $0xFFFFF000  }
.LBB2_12:
0xc7: {  	v0 =	vld [tilespmem:s28+$0xFFFFFFC0];
	_ =	sdelay $0x4  }
0xc8: {  	v1 =	vadd.s32 $0x1, v0;
	_ =	sdelay $0x3  }
0xc9: {  	v0 =	vld.idx.msk [tilespmem:v0+s23+$0x0], $0xffff  }
0xca: {  	v1 =	vld.idx.msk [tilespmem:v1+s23+$0x0], $0xffff;
	_ =	sdelay $0x1  }
0xcb: {  	v2 =	vld [tilespmem:s1+$0xFFFFFFC0];
	_ =	sdelay $0x2  }
0xcc: {  	v1 =	vsub.f32 v1, v0;
	_ =	sdelay $0x1  }
0xcd: {  	v1 =	vmul.f32 v1, v2;
	_ =	sdelay $0x1  }
0xce: {  	v0 =	vadd.f32 v1, v0;
	_ =	sdelay $0x1  }
0xcf: {  	[tilespmem:s25+$0xFFFFFFC0] =	vst v0  }
0xd0: {  	v0 =	vld [tilespmem:s28+$0xFFFFFFD0];
	_ =	sdelay $0x4  }
0xd1: {  	v50 =	vadd.s32 $0x1, v0;
	_ =	sdelay $0x3  }
0xd2: {  	v0 =	vld.idx.msk [tilespmem:v0+s23+$0x0], $0xffff  }
0xd3: {  	v1 =	vld.idx.msk [tilespmem:v50+s23+$0x0], $0xffff;
	_ =	sdelay $0x1  }
0xd4: {  	v51 =	vld [tilespmem:s1+$0xFFFFFFD0];
	_ =	sdelay $0x2  }
0xd5: {  	v1 =	vsub.f32 v1, v0;
	_ =	sdelay $0x1  }
0xd6: {  	v1 =	vmul.f32 v1, v51;
	_ =	sdelay $0x1  }
0xd7: {  	v0 =	vadd.f32 v1, v0;
	_ =	sdelay $0x1  }
0xd8: {  	[tilespmem:s25+$0xFFFFFFD0] =	vst v0  }
0xd9: {  	v0 =	vld [tilespmem:s28+$0xFFFFFFE0];
	_ =	sdelay $0x4  }
0xda: {  	v52 =	vadd.s32 $0x1, v0;
	_ =	sdelay $0x3  }
0xdb: {  	v0 =	vld.idx.msk [tilespmem:v0+s23+$0x0], $0xffff  }
0xdc: {  	v1 =	vld.idx.msk [tilespmem:v52+s23+$0x0], $0xffff;
	_ =	sdelay $0x1  }
0xdd: {  	v53 =	vld [tilespmem:s1+$0xFFFFFFE0];
	_ =	sdelay $0x2  }
0xde: {  	v1 =	vsub.f32 v1, v0;
	_ =	sdelay $0x1  }
0xdf: {  	v1 =	vmul.f32 v1, v53;
	_ =	sdelay $0x1  }
0xe0: {  	v0 =	vadd.f32 v1, v0;
	_ =	sdelay $0x1  }
0xe1: {  	[tilespmem:s25+$0xFFFFFFE0] =	vst v0  }
0xe2: {  	v0 =	vld [tilespmem:s28+$0xFFFFFFF0];
	_ =	sdelay $0x4  }
0xe3: {  	v54 =	vadd.s32 $0x1, v0;
	_ =	sdelay $0x3  }
0xe4: {  	v0 =	vld.idx.msk [tilespmem:v0+s23+$0x0], $0xffff  }
0xe5: {  	v1 =	vld.idx.msk [tilespmem:v54+s23+$0x0], $0xffff;
	_ =	sdelay $0x1  }
0xe6: {  	v55 =	vld [tilespmem:s1+$0xFFFFFFF0];
	_ =	sdelay $0x2  }
0xe7: {  	v1 =	vsub.f32 v1, v0;
	_ =	sdelay $0x1  }
0xe8: {  	v1 =	vmul.f32 v1, v55;
	_ =	sdelay $0x1  }
0xe9: {  	v0 =	vadd.f32 v1, v0;
	_ =	sdelay $0x1  }
0xea: {  	[tilespmem:s25+$0xFFFFFFF0] =	vst v0  }
0xeb: {  	v0 =	vld [tilespmem:s28+$0x0];
	_ =	sdelay $0x4  }
0xec: {  	v56 =	vadd.s32 $0x1, v0;
	_ =	sdelay $0x3  }
0xed: {  	v0 =	vld.idx.msk [tilespmem:v0+s23+$0x0], $0xffff  }
0xee: {  	v1 =	vld.idx.msk [tilespmem:v56+s23+$0x0], $0xffff;
	_ =	sdelay $0x1  }
0xef: {  	v57 =	vld [tilespmem:s1+$0x0];
	_ =	sdelay $0x2  }
0xf0: {  	v1 =	vsub.f32 v1, v0;
	_ =	sdelay $0x1  }
0xf1: {  	v1 =	vmul.f32 v1, v57;
	_ =	sdelay $0x1  }
0xf2: {  	v0 =	vadd.f32 v1, v0;
	_ =	sdelay $0x1  }
0xf3: {  	[tilespmem:s25+$0x0] =	vst v0  }
0xf4: {  	v0 =	vld [tilespmem:s28+$0x10];
	_ =	sdelay $0x4  }
0xf5: {  	v58 =	vadd.s32 $0x1, v0;
	_ =	sdelay $0x3  }
0xf6: {  	v0 =	vld.idx.msk [tilespmem:v0+s23+$0x0], $0xffff  }
0xf7: {  	v1 =	vld.idx.msk [tilespmem:v58+s23+$0x0], $0xffff;
	_ =	sdelay $0x1  }
0xf8: {  	v59 =	vld [tilespmem:s1+$0x10];
	_ =	sdelay $0x2  }
0xf9: {  	v1 =	vsub.f32 v1, v0;
	_ =	sdelay $0x1  }
0xfa: {  	v1 =	vmul.f32 v1, v59;
	_ =	sdelay $0x1  }
0xfb: {  	v0 =	vadd.f32 v1, v0;
	_ =	sdelay $0x1  }
0xfc: {  	[tilespmem:s25+$0x10] =	vst v0  }
0xfd: {  	v0 =	vld [tilespmem:s28+$0x20];
	_ =	sdelay $0x4  }
0xfe: {  	v60 =	vadd.s32 $0x1, v0;
	_ =	sdelay $0x3  }
0xff: {  	v0 =	vld.idx.msk [tilespmem:v0+s23+$0x0], $0xffff  }
0x100: {  	v1 =	vld.idx.msk [tilespmem:v60+s23+$0x0], $0xffff;
	_ =	sdelay $0x1  }
0x101: {  	v61 =	vld [tilespmem:s1+$0x20];
	_ =	sdelay $0x2  }
0x102: {  	v1 =	vsub.f32 v1, v0;
	_ =	sdelay $0x1  }
0x103: {  	v1 =	vmul.f32 v1, v61;
	_ =	sdelay $0x1  }
0x104: {  	v0 =	vadd.f32 v1, v0;
	_ =	sdelay $0x1  }
0x105: {  	[tilespmem:s25+$0x20] =	vst v0  }
0x106: {  	v0 =	vld [tilespmem:s28+$0x30];
	_ =	sdelay $0x4  }
0x107: {  	v62 =	vadd.s32 $0x1, v0;
	_ =	sdelay $0x3  }
0x108: {  	v0 =	vld.idx.msk [tilespmem:v0+s23+$0x0], $0xffff  }
0x109: {  	v1 =	vld.idx.msk [tilespmem:v62+s23+$0x0], $0xffff;
	_ =	sdelay $0x1  }
0x10a: {  	v63 =	vld [tilespmem:s1+$0x30];
	_ =	sdelay $0x2  }
0x10b: {  	s16 =	sadd.s32 $0x8, s16;
	v1 =	vsub.f32 v1, v0  }
0x10c: {  	p0 =	slt.u32 s16, $0xF8  }
.Ltmp10:
0x10d: {  	v1 =	vmul.f32 v1, v63;
	(pc) =	sbr.rel @p0 .LBB2_12-.Ltmp10, $3  }
0x10e: {  	_ = 	snop  }
0x10f: {  	v0 =	vadd.f32 v1, v0;
	_ =	sdelay $0x1  }
0x110: {  	s28 =	sadd.s32 $0x80, s28;
	s1 =	sadd.s32 $0x80, s1;
	[tilespmem:s25+$0x30] =	vst v0;
	s25 =	sadd.s32 $0x80, s25  }
0x111: {  	s1 =	sshll.u32 s30, $0x13;
	s16 =	sshll.u32 s31, $0x11  }
0x112: {  	s1 =	sor.u32 s1, s16  }
0x113: {  	s1 =	sor.u32 s4, s1  }
0x114: {  	s31 =	sshrl.u32 s1, $0x3  }
0x115: {  	s1 =	sadd.s32 s2, s31  }
0x116: {  	[hbm4b:s1+s17] =	stream.strided.scatter [tilespmem:s20], [sflag:$0x1], $0x1000, s18, s17, $0x38;
	[tilespmem:$0x1F780] =	vst v63  }
0x117: {  	s28 =	sadd.s32 s0, s10  }
0x118: {  	[tilespmem:s26], [sflag:$0x2] =	stream.strided.gather [hbm4b:s28+s17], $0x1000, s24, s17, $0x38;
	[tilespmem:$0x1F780] =	vst v63  }
0x119: {  	_ =	swait.ge [sflag:s19], $0x1000  }
0x11a: {  	s25 =	simm.s32 $0x1E740;
	s16 =	simm.s32 $0x19770;
	[sflag:s19] =	ssyncset.done $0x0  }
0x11b: {  	s4 =	simm.s32 $0xFFFFFFF8;
	s1 =	simm.s32 $0x1D740;
	[sflag:s19] =	ssyncadd.s32 $0xFFFFF000  }
.LBB2_14:
0x11c: {  	v0 =	vld [tilespmem:s16+$0xFFFFFF90];
	_ =	sdelay $0x4  }
0x11d: {  	v1 =	vadd.s32 $0x1, v0;
	_ =	sdelay $0x3  }
0x11e: {  	v0 =	vld.idx.msk [tilespmem:v0+s23+$0x0], $0xffff  }
0x11f: {  	v1 =	vld.idx.msk [tilespmem:v1+s23+$0x0], $0xffff;
	_ =	sdelay $0x1  }
0x120: {  	v2 =	vld [tilespmem:s25+$0xFFFFFFC0];
	_ =	sdelay $0x2  }
0x121: {  	v1 =	vsub.f32 v1, v0;
	_ =	sdelay $0x1  }
0x122: {  	v1 =	vmul.f32 v1, v2;
	_ =	sdelay $0x1  }
0x123: {  	v0 =	vadd.f32 v1, v0;
	_ =	sdelay $0x1  }
0x124: {  	[tilespmem:s1+$0xFFFFFFC0] =	vst v0  }
0x125: {  	v0 =	vld [tilespmem:s16+$0xFFFFFFA0];
	_ =	sdelay $0x4  }
0x126: {  	v50 =	vadd.s32 $0x1, v0;
	_ =	sdelay $0x3  }
0x127: {  	v0 =	vld.idx.msk [tilespmem:v0+s23+$0x0], $0xffff  }
0x128: {  	v1 =	vld.idx.msk [tilespmem:v50+s23+$0x0], $0xffff;
	_ =	sdelay $0x1  }
0x129: {  	v51 =	vld [tilespmem:s25+$0xFFFFFFD0];
	_ =	sdelay $0x2  }
0x12a: {  	v1 =	vsub.f32 v1, v0;
	_ =	sdelay $0x1  }
0x12b: {  	v1 =	vmul.f32 v1, v51;
	_ =	sdelay $0x1  }
0x12c: {  	v0 =	vadd.f32 v1, v0;
	_ =	sdelay $0x1  }
0x12d: {  	[tilespmem:s1+$0xFFFFFFD0] =	vst v0  }
0x12e: {  	v0 =	vld [tilespmem:s16+$0xFFFFFFB0];
	_ =	sdelay $0x4  }
0x12f: {  	v52 =	vadd.s32 $0x1, v0;
	_ =	sdelay $0x3  }
0x130: {  	v0 =	vld.idx.msk [tilespmem:v0+s23+$0x0], $0xffff  }
0x131: {  	v1 =	vld.idx.msk [tilespmem:v52+s23+$0x0], $0xffff;
	_ =	sdelay $0x1  }
0x132: {  	v53 =	vld [tilespmem:s25+$0xFFFFFFE0];
	_ =	sdelay $0x2  }
0x133: {  	v1 =	vsub.f32 v1, v0;
	_ =	sdelay $0x1  }
0x134: {  	v1 =	vmul.f32 v1, v53;
	_ =	sdelay $0x1  }
0x135: {  	v0 =	vadd.f32 v1, v0;
	_ =	sdelay $0x1  }
0x136: {  	[tilespmem:s1+$0xFFFFFFE0] =	vst v0  }
0x137: {  	v0 =	vld [tilespmem:s16+$0xFFFFFFC0];
	_ =	sdelay $0x4  }
0x138: {  	v54 =	vadd.s32 $0x1, v0;
	_ =	sdelay $0x3  }
0x139: {  	v0 =	vld.idx.msk [tilespmem:v0+s23+$0x0], $0xffff  }
0x13a: {  	v1 =	vld.idx.msk [tilespmem:v54+s23+$0x0], $0xffff;
	_ =	sdelay $0x1  }
0x13b: {  	v55 =	vld [tilespmem:s25+$0xFFFFFFF0];
	_ =	sdelay $0x2  }
0x13c: {  	v1 =	vsub.f32 v1, v0;
	_ =	sdelay $0x1  }
0x13d: {  	v1 =	vmul.f32 v1, v55;
	_ =	sdelay $0x1  }
0x13e: {  	v0 =	vadd.f32 v1, v0;
	_ =	sdelay $0x1  }
0x13f: {  	[tilespmem:s1+$0xFFFFFFF0] =	vst v0  }
0x140: {  	v0 =	vld [tilespmem:s16+$0xFFFFFFD0];
	_ =	sdelay $0x4  }
0x141: {  	v56 =	vadd.s32 $0x1, v0;
	_ =	sdelay $0x3  }
0x142: {  	v0 =	vld.idx.msk [tilespmem:v0+s23+$0x0], $0xffff  }
0x143: {  	v1 =	vld.idx.msk [tilespmem:v56+s23+$0x0], $0xffff;
	_ =	sdelay $0x1  }
0x144: {  	v57 =	vld [tilespmem:s25+$0x0];
	_ =	sdelay $0x2  }
0x145: {  	v1 =	vsub.f32 v1, v0;
	_ =	sdelay $0x1  }
0x146: {  	v1 =	vmul.f32 v1, v57;
	_ =	sdelay $0x1  }
0x147: {  	v0 =	vadd.f32 v1, v0;
	_ =	sdelay $0x1  }
0x148: {  	[tilespmem:s1+$0x0] =	vst v0  }
0x149: {  	v0 =	vld [tilespmem:s16+$0xFFFFFFE0];
	_ =	sdelay $0x4  }
0x14a: {  	v58 =	vadd.s32 $0x1, v0;
	_ =	sdelay $0x3  }
0x14b: {  	v0 =	vld.idx.msk [tilespmem:v0+s23+$0x0], $0xffff  }
0x14c: {  	v1 =	vld.idx.msk [tilespmem:v58+s23+$0x0], $0xffff;
	_ =	sdelay $0x1  }
0x14d: {  	v59 =	vld [tilespmem:s25+$0x10];
	_ =	sdelay $0x2  }
0x14e: {  	v1 =	vsub.f32 v1, v0;
	_ =	sdelay $0x1  }
0x14f: {  	v1 =	vmul.f32 v1, v59;
	_ =	sdelay $0x1  }
0x150: {  	v0 =	vadd.f32 v1, v0;
	_ =	sdelay $0x1  }
0x151: {  	[tilespmem:s1+$0x10] =	vst v0  }
0x152: {  	v0 =	vld [tilespmem:s16+$0xFFFFFFF0];
	_ =	sdelay $0x4  }
0x153: {  	v60 =	vadd.s32 $0x1, v0;
	_ =	sdelay $0x3  }
0x154: {  	v0 =	vld.idx.msk [tilespmem:v0+s23+$0x0], $0xffff  }
0x155: {  	v1 =	vld.idx.msk [tilespmem:v60+s23+$0x0], $0xffff;
	_ =	sdelay $0x1  }
0x156: {  	v61 =	vld [tilespmem:s25+$0x20];
	_ =	sdelay $0x2  }
0x157: {  	v1 =	vsub.f32 v1, v0;
	_ =	sdelay $0x1  }
0x158: {  	v1 =	vmul.f32 v1, v61;
	_ =	sdelay $0x1  }
0x159: {  	v0 =	vadd.f32 v1, v0;
	_ =	sdelay $0x1  }
0x15a: {  	[tilespmem:s1+$0x20] =	vst v0  }
0x15b: {  	v0 =	vld [tilespmem:s16+$0x0];
	_ =	sdelay $0x4  }
0x15c: {  	v62 =	vadd.s32 $0x1, v0;
	_ =	sdelay $0x3  }
0x15d: {  	v0 =	vld.idx.msk [tilespmem:v0+s23+$0x0], $0xffff  }
0x15e: {  	v1 =	vld.idx.msk [tilespmem:v62+s23+$0x0], $0xffff;
	_ =	sdelay $0x1  }
0x15f: {  	v63 =	vld [tilespmem:s25+$0x30];
	_ =	sdelay $0x2  }
0x160: {  	s4 =	sadd.s32 $0x8, s4;
	v1 =	vsub.f32 v1, v0  }
0x161: {  	p0 =	slt.u32 s4, $0xF8  }
.Ltmp11:
0x162: {  	v1 =	vmul.f32 v1, v63;
	(pc) =	sbr.rel @p0 .LBB2_14-.Ltmp11, $3  }
0x163: {  	_ = 	snop  }
0x164: {  	v0 =	vadd.f32 v1, v0;
	_ =	sdelay $0x1  }
0x165: {  	s16 =	sadd.s32 $0x80, s16;
	s25 =	sadd.s32 $0x80, s25;
	[tilespmem:s1+$0x30] =	vst v0;
	s1 =	sadd.s32 $0x80, s1  }
0x166: {  	s1 =	sadd.s32 s31, s11  }
0x167: {  	[hbm4b:s1+s17] =	stream.strided.scatter [tilespmem:s21], [sflag:$0x1], $0x1000, s18, s17, $0x38;
	[tilespmem:$0x1F780] =	vst v63  }
0x168: {  	_ =	swait.ge [sflag:s22], $0x1000  }
0x169: {  	[sflag:s22] =	ssyncset.done $0x0  }
0x16a: {  	s28 =	sadd.s32 s0, s12;
	[sflag:s22] =	ssyncadd.s32 $0xFFFFF000  }
0x16b: {  	[tilespmem:s26], [sflag:$0x2] =	stream.strided.gather [hbm4b:s28+s17], $0x1000, s24, s17, $0x38;
	[tilespmem:$0x1F780] =	vst v63  }
0x16c: {  	_ =	swait.ge [sflag:s19], $0x1000  }
0x16d: {  	s4 =	simm.s32 $0xFFFFFFF8;
	s16 =	simm.s32 $0x1A770;
	[sflag:s19] =	ssyncset.done $0x0  }
0x16e: {  	s25 =	simm.s32 $0x1E740;
	s1 =	simm.s32 $0x1C740;
	[sflag:s19] =	ssyncadd.s32 $0xFFFFF000  }
.LBB2_16:
0x16f: {  	v0 =	vld [tilespmem:s16+$0xFFFFFF90];
	_ =	sdelay $0x4  }
0x170: {  	v1 =	vadd.s32 $0x1, v0;
	_ =	sdelay $0x3  }
0x171: {  	v0 =	vld.idx.msk [tilespmem:v0+s23+$0x0], $0xffff  }
0x172: {  	v1 =	vld.idx.msk [tilespmem:v1+s23+$0x0], $0xffff;
	_ =	sdelay $0x1  }
0x173: {  	v2 =	vld [tilespmem:s25+$0xFFFFFFC0];
	_ =	sdelay $0x2  }
0x174: {  	v1 =	vsub.f32 v1, v0;
	_ =	sdelay $0x1  }
0x175: {  	v1 =	vmul.f32 v1, v2;
	_ =	sdelay $0x1  }
0x176: {  	v0 =	vadd.f32 v1, v0;
	_ =	sdelay $0x1  }
0x177: {  	[tilespmem:s1+$0xFFFFFFC0] =	vst v0  }
0x178: {  	v0 =	vld [tilespmem:s16+$0xFFFFFFA0];
	_ =	sdelay $0x4  }
0x179: {  	v50 =	vadd.s32 $0x1, v0;
	_ =	sdelay $0x3  }
0x17a: {  	v0 =	vld.idx.msk [tilespmem:v0+s23+$0x0], $0xffff  }
0x17b: {  	v1 =	vld.idx.msk [tilespmem:v50+s23+$0x0], $0xffff;
	_ =	sdelay $0x1  }
0x17c: {  	v51 =	vld [tilespmem:s25+$0xFFFFFFD0];
	_ =	sdelay $0x2  }
0x17d: {  	v1 =	vsub.f32 v1, v0;
	_ =	sdelay $0x1  }
0x17e: {  	v1 =	vmul.f32 v1, v51;
	_ =	sdelay $0x1  }
0x17f: {  	v0 =	vadd.f32 v1, v0;
	_ =	sdelay $0x1  }
0x180: {  	[tilespmem:s1+$0xFFFFFFD0] =	vst v0  }
0x181: {  	v0 =	vld [tilespmem:s16+$0xFFFFFFB0];
	_ =	sdelay $0x4  }
0x182: {  	v52 =	vadd.s32 $0x1, v0;
	_ =	sdelay $0x3  }
0x183: {  	v0 =	vld.idx.msk [tilespmem:v0+s23+$0x0], $0xffff  }
0x184: {  	v1 =	vld.idx.msk [tilespmem:v52+s23+$0x0], $0xffff;
	_ =	sdelay $0x1  }
0x185: {  	v53 =	vld [tilespmem:s25+$0xFFFFFFE0];
	_ =	sdelay $0x2  }
0x186: {  	v1 =	vsub.f32 v1, v0;
	_ =	sdelay $0x1  }
0x187: {  	v1 =	vmul.f32 v1, v53;
	_ =	sdelay $0x1  }
0x188: {  	v0 =	vadd.f32 v1, v0;
	_ =	sdelay $0x1  }
0x189: {  	[tilespmem:s1+$0xFFFFFFE0] =	vst v0  }
0x18a: {  	v0 =	vld [tilespmem:s16+$0xFFFFFFC0];
	_ =	sdelay $0x4  }
0x18b: {  	v54 =	vadd.s32 $0x1, v0;
	_ =	sdelay $0x3  }
0x18c: {  	v0 =	vld.idx.msk [tilespmem:v0+s23+$0x0], $0xffff  }
0x18d: {  	v1 =	vld.idx.msk [tilespmem:v54+s23+$0x0], $0xffff;
	_ =	sdelay $0x1  }
0x18e: {  	v55 =	vld [tilespmem:s25+$0xFFFFFFF0];
	_ =	sdelay $0x2  }
0x18f: {  	v1 =	vsub.f32 v1, v0;
	_ =	sdelay $0x1  }
0x190: {  	v1 =	vmul.f32 v1, v55;
	_ =	sdelay $0x1  }
0x191: {  	v0 =	vadd.f32 v1, v0;
	_ =	sdelay $0x1  }
0x192: {  	[tilespmem:s1+$0xFFFFFFF0] =	vst v0  }
0x193: {  	v0 =	vld [tilespmem:s16+$0xFFFFFFD0];
	_ =	sdelay $0x4  }
0x194: {  	v56 =	vadd.s32 $0x1, v0;
	_ =	sdelay $0x3  }
0x195: {  	v0 =	vld.idx.msk [tilespmem:v0+s23+$0x0], $0xffff  }
0x196: {  	v1 =	vld.idx.msk [tilespmem:v56+s23+$0x0], $0xffff;
	_ =	sdelay $0x1  }
0x197: {  	v57 =	vld [tilespmem:s25+$0x0];
	_ =	sdelay $0x2  }
0x198: {  	v1 =	vsub.f32 v1, v0;
	_ =	sdelay $0x1  }
0x199: {  	v1 =	vmul.f32 v1, v57;
	_ =	sdelay $0x1  }
0x19a: {  	v0 =	vadd.f32 v1, v0;
	_ =	sdelay $0x1  }
0x19b: {  	[tilespmem:s1+$0x0] =	vst v0  }
0x19c: {  	v0 =	vld [tilespmem:s16+$0xFFFFFFE0];
	_ =	sdelay $0x4  }
0x19d: {  	v58 =	vadd.s32 $0x1, v0;
	_ =	sdelay $0x3  }
0x19e: {  	v0 =	vld.idx.msk [tilespmem:v0+s23+$0x0], $0xffff  }
0x19f: {  	v1 =	vld.idx.msk [tilespmem:v58+s23+$0x0], $0xffff;
	_ =	sdelay $0x1  }
0x1a0: {  	v59 =	vld [tilespmem:s25+$0x10];
	_ =	sdelay $0x2  }
0x1a1: {  	v1 =	vsub.f32 v1, v0;
	_ =	sdelay $0x1  }
0x1a2: {  	v1 =	vmul.f32 v1, v59;
	_ =	sdelay $0x1  }
0x1a3: {  	v0 =	vadd.f32 v1, v0;
	_ =	sdelay $0x1  }
0x1a4: {  	[tilespmem:s1+$0x10] =	vst v0  }
0x1a5: {  	v0 =	vld [tilespmem:s16+$0xFFFFFFF0];
	_ =	sdelay $0x4  }
0x1a6: {  	v60 =	vadd.s32 $0x1, v0;
	_ =	sdelay $0x3  }
0x1a7: {  	v0 =	vld.idx.msk [tilespmem:v0+s23+$0x0], $0xffff  }
0x1a8: {  	v1 =	vld.idx.msk [tilespmem:v60+s23+$0x0], $0xffff;
	_ =	sdelay $0x1  }
0x1a9: {  	v61 =	vld [tilespmem:s25+$0x20];
	_ =	sdelay $0x2  }
0x1aa: {  	v1 =	vsub.f32 v1, v0;
	_ =	sdelay $0x1  }
0x1ab: {  	v1 =	vmul.f32 v1, v61;
	_ =	sdelay $0x1  }
0x1ac: {  	v0 =	vadd.f32 v1, v0;
	_ =	sdelay $0x1  }
0x1ad: {  	[tilespmem:s1+$0x20] =	vst v0  }
0x1ae: {  	v0 =	vld [tilespmem:s16+$0x0];
	_ =	sdelay $0x4  }
0x1af: {  	v62 =	vadd.s32 $0x1, v0;
	_ =	sdelay $0x3  }
0x1b0: {  	v0 =	vld.idx.msk [tilespmem:v0+s23+$0x0], $0xffff  }
0x1b1: {  	v1 =	vld.idx.msk [tilespmem:v62+s23+$0x0], $0xffff;
	_ =	sdelay $0x1  }
0x1b2: {  	v63 =	vld [tilespmem:s25+$0x30];
	_ =	sdelay $0x2  }
0x1b3: {  	s4 =	sadd.s32 $0x8, s4;
	v1 =	vsub.f32 v1, v0  }
0x1b4: {  	p0 =	slt.u32 s4, $0xF8  }
.Ltmp12:
0x1b5: {  	v1 =	vmul.f32 v1, v63;
	(pc) =	sbr.rel @p0 .LBB2_16-.Ltmp12, $3  }
0x1b6: {  	_ = 	snop  }
0x1b7: {  	v0 =	vadd.f32 v1, v0;
	_ =	sdelay $0x1  }
0x1b8: {  	s16 =	sadd.s32 $0x80, s16;
	s25 =	sadd.s32 $0x80, s25;
	[tilespmem:s1+$0x30] =	vst v0;
	s1 =	sadd.s32 $0x80, s1  }
0x1b9: {  	s1 =	sadd.s32 s31, s13  }
0x1ba: {  	[hbm4b:s1+s17] =	stream.strided.scatter [tilespmem:s20], [sflag:$0x1], $0x1000, s18, s17, $0x38;
	[tilespmem:$0x1F780] =	vst v63  }
0x1bb: {  	_ =	swait.ge [sflag:s22], $0x1000  }
0x1bc: {  	[sflag:s22] =	ssyncset.done $0x0  }
0x1bd: {  	s0 =	sadd.s32 s0, s14;
	[sflag:s22] =	ssyncadd.s32 $0xFFFFF000  }
0x1be: {  	[tilespmem:s26], [sflag:$0x2] =	stream.strided.gather [hbm4b:s0+s17], $0x1000, s24, s17, $0x38;
	[tilespmem:$0x1F780] =	vst v63  }
0x1bf: {  	_ =	swait.ge [sflag:s19], $0x1000  }
0x1c0: {  	s4 =	simm.s32 $0x1D740;
	s16 =	simm.s32 $0x1E740;
	[sflag:s19] =	ssyncset.done $0x0  }
0x1c1: {  	s1 =	simm.s32 $0x1B770;
	s0 =	simm.s32 $0xFFFFFFF8;
	[sflag:s19] =	ssyncadd.s32 $0xFFFFF000  }
.LBB2_18:
0x1c2: {  	v0 =	vld [tilespmem:s1+$0xFFFFFF90];
	_ =	sdelay $0x4  }
0x1c3: {  	v1 =	vadd.s32 $0x1, v0;
	_ =	sdelay $0x3  }
0x1c4: {  	v0 =	vld.idx.msk [tilespmem:v0+s23+$0x0], $0xffff  }
0x1c5: {  	v1 =	vld.idx.msk [tilespmem:v1+s23+$0x0], $0xffff;
	_ =	sdelay $0x1  }
0x1c6: {  	v2 =	vld [tilespmem:s16+$0xFFFFFFC0];
	_ =	sdelay $0x2  }
0x1c7: {  	v1 =	vsub.f32 v1, v0;
	_ =	sdelay $0x1  }
0x1c8: {  	v1 =	vmul.f32 v1, v2;
	_ =	sdelay $0x1  }
0x1c9: {  	v0 =	vadd.f32 v1, v0;
	_ =	sdelay $0x1  }
0x1ca: {  	[tilespmem:s4+$0xFFFFFFC0] =	vst v0  }
0x1cb: {  	v0 =	vld [tilespmem:s1+$0xFFFFFFA0];
	_ =	sdelay $0x4  }
0x1cc: {  	v50 =	vadd.s32 $0x1, v0;
	_ =	sdelay $0x3  }
0x1cd: {  	v0 =	vld.idx.msk [tilespmem:v0+s23+$0x0], $0xffff  }
0x1ce: {  	v1 =	vld.idx.msk [tilespmem:v50+s23+$0x0], $0xffff;
	_ =	sdelay $0x1  }
0x1cf: {  	v51 =	vld [tilespmem:s16+$0xFFFFFFD0];
	_ =	sdelay $0x2  }
0x1d0: {  	v1 =	vsub.f32 v1, v0;
	_ =	sdelay $0x1  }
0x1d1: {  	v1 =	vmul.f32 v1, v51;
	_ =	sdelay $0x1  }
0x1d2: {  	v0 =	vadd.f32 v1, v0;
	_ =	sdelay $0x1  }
0x1d3: {  	[tilespmem:s4+$0xFFFFFFD0] =	vst v0  }
0x1d4: {  	v0 =	vld [tilespmem:s1+$0xFFFFFFB0];
	_ =	sdelay $0x4  }
0x1d5: {  	v52 =	vadd.s32 $0x1, v0;
	_ =	sdelay $0x3  }
0x1d6: {  	v0 =	vld.idx.msk [tilespmem:v0+s23+$0x0], $0xffff  }
0x1d7: {  	v1 =	vld.idx.msk [tilespmem:v52+s23+$0x0], $0xffff;
	_ =	sdelay $0x1  }
0x1d8: {  	v53 =	vld [tilespmem:s16+$0xFFFFFFE0];
	_ =	sdelay $0x2  }
0x1d9: {  	v1 =	vsub.f32 v1, v0;
	_ =	sdelay $0x1  }
0x1da: {  	v1 =	vmul.f32 v1, v53;
	_ =	sdelay $0x1  }
0x1db: {  	v0 =	vadd.f32 v1, v0;
	_ =	sdelay $0x1  }
0x1dc: {  	[tilespmem:s4+$0xFFFFFFE0] =	vst v0  }
0x1dd: {  	v0 =	vld [tilespmem:s1+$0xFFFFFFC0];
	_ =	sdelay $0x4  }
0x1de: {  	v54 =	vadd.s32 $0x1, v0;
	_ =	sdelay $0x3  }
0x1df: {  	v0 =	vld.idx.msk [tilespmem:v0+s23+$0x0], $0xffff  }
0x1e0: {  	v1 =	vld.idx.msk [tilespmem:v54+s23+$0x0], $0xffff;
	_ =	sdelay $0x1  }
0x1e1: {  	v55 =	vld [tilespmem:s16+$0xFFFFFFF0];
	_ =	sdelay $0x2  }
0x1e2: {  	v1 =	vsub.f32 v1, v0;
	_ =	sdelay $0x1  }
0x1e3: {  	v1 =	vmul.f32 v1, v55;
	_ =	sdelay $0x1  }
0x1e4: {  	v0 =	vadd.f32 v1, v0;
	_ =	sdelay $0x1  }
0x1e5: {  	[tilespmem:s4+$0xFFFFFFF0] =	vst v0  }
0x1e6: {  	v0 =	vld [tilespmem:s1+$0xFFFFFFD0];
	_ =	sdelay $0x4  }
0x1e7: {  	v56 =	vadd.s32 $0x1, v0;
	_ =	sdelay $0x3  }
0x1e8: {  	v0 =	vld.idx.msk [tilespmem:v0+s23+$0x0], $0xffff  }
0x1e9: {  	v1 =	vld.idx.msk [tilespmem:v56+s23+$0x0], $0xffff;
	_ =	sdelay $0x1  }
0x1ea: {  	v57 =	vld [tilespmem:s16+$0x0];
	_ =	sdelay $0x2  }
0x1eb: {  	v1 =	vsub.f32 v1, v0;
	_ =	sdelay $0x1  }
0x1ec: {  	v1 =	vmul.f32 v1, v57;
	_ =	sdelay $0x1  }
0x1ed: {  	v0 =	vadd.f32 v1, v0;
	_ =	sdelay $0x1  }
0x1ee: {  	[tilespmem:s4+$0x0] =	vst v0  }
0x1ef: {  	v0 =	vld [tilespmem:s1+$0xFFFFFFE0];
	_ =	sdelay $0x4  }
0x1f0: {  	v58 =	vadd.s32 $0x1, v0;
	_ =	sdelay $0x3  }
0x1f1: {  	v0 =	vld.idx.msk [tilespmem:v0+s23+$0x0], $0xffff  }
0x1f2: {  	v1 =	vld.idx.msk [tilespmem:v58+s23+$0x0], $0xffff;
	_ =	sdelay $0x1  }
0x1f3: {  	v59 =	vld [tilespmem:s16+$0x10];
	_ =	sdelay $0x2  }
0x1f4: {  	v1 =	vsub.f32 v1, v0;
	_ =	sdelay $0x1  }
0x1f5: {  	v1 =	vmul.f32 v1, v59;
	_ =	sdelay $0x1  }
0x1f6: {  	v0 =	vadd.f32 v1, v0;
	_ =	sdelay $0x1  }
0x1f7: {  	[tilespmem:s4+$0x10] =	vst v0  }
0x1f8: {  	v0 =	vld [tilespmem:s1+$0xFFFFFFF0];
	_ =	sdelay $0x4  }
0x1f9: {  	v60 =	vadd.s32 $0x1, v0;
	_ =	sdelay $0x3  }
0x1fa: {  	v0 =	vld.idx.msk [tilespmem:v0+s23+$0x0], $0xffff  }
0x1fb: {  	v1 =	vld.idx.msk [tilespmem:v60+s23+$0x0], $0xffff;
	_ =	sdelay $0x1  }
0x1fc: {  	v61 =	vld [tilespmem:s16+$0x20];
	_ =	sdelay $0x2  }
0x1fd: {  	v1 =	vsub.f32 v1, v0;
	_ =	sdelay $0x1  }
0x1fe: {  	v1 =	vmul.f32 v1, v61;
	_ =	sdelay $0x1  }
0x1ff: {  	v0 =	vadd.f32 v1, v0;
	_ =	sdelay $0x1  }
0x200: {  	[tilespmem:s4+$0x20] =	vst v0  }
0x201: {  	v0 =	vld [tilespmem:s1+$0x0];
	_ =	sdelay $0x4  }
0x202: {  	v62 =	vadd.s32 $0x1, v0;
	_ =	sdelay $0x3  }
0x203: {  	v0 =	vld.idx.msk [tilespmem:v0+s23+$0x0], $0xffff  }
0x204: {  	v1 =	vld.idx.msk [tilespmem:v62+s23+$0x0], $0xffff;
	_ =	sdelay $0x1  }
0x205: {  	v63 =	vld [tilespmem:s16+$0x30];
	_ =	sdelay $0x2  }
0x206: {  	s0 =	sadd.s32 $0x8, s0;
	v1 =	vsub.f32 v1, v0  }
0x207: {  	p0 =	slt.u32 s0, $0xF8  }
.Ltmp13:
0x208: {  	v1 =	vmul.f32 v1, v63;
	(pc) =	sbr.rel @p0 .LBB2_18-.Ltmp13, $3  }
0x209: {  	_ = 	snop  }
0x20a: {  	v0 =	vadd.f32 v1, v0;
	_ =	sdelay $0x1  }
0x20b: {  	s1 =	sadd.s32 $0x80, s1;
	s16 =	sadd.s32 $0x80, s16;
	[tilespmem:s4+$0x30] =	vst v0;
	s4 =	sadd.s32 $0x80, s4  }
.Ltmp14:
0x20c: {  	_ = 	snop;
	(pc) =	sbr.rel .LBB2_19-.Ltmp14, $1  }
0x20d: {  	_ =	sdelay $0x3  }
.LBB2_21:
0x20e: {  	_ =	sfence.sel $0x180000  }
0x20f: {  	[bflag:$0x0] =	sbarrier.arrive $0xFFFF  }
0x210: {  	_ =	strace $0x90000047  }
0x211: {  	s0 =	stileid.u32;
	[bflag:$0x2] =	sbarrier.arrive $0xFFFF  }
0x212: {  	p0 =	sne.s32 s0, $0x0;
	s0 =	rddreg [dreg:$0x3]  }
0x213: {  	s0 =	sadd.s32 @!p0 $0x100000, s0  }
0x214: {  	[sflag:s0] =	ssyncadd.tile.s32 @!p0 $0x1;
	_ =	shalt  }
.Lfunc_end2:
_tile_overlayer_lowered:
.L_overlay_start_2:
0x215: {  	(tag) =	ssettag $0x2  }
0x216: {  	s0 =	rddreg [dreg:$0x0];
	s2 =	stileid.u32  }
0x217: {  	s1 =	rddreg [dreg:$0x1];
	p0 =	sne.s32 s2, $0x0  }
0x218: {  	s3 =	rddreg [dreg:$0x2];
	[bflag:$0x3] =	sbarrier.arrive $0xFFFF;
	s2 =	simm.s32 @!p0 $0x1C02  }
0x219: {  	[timem:s3], [sflag:s2] =	dma.local @!p0 [hbm:s0], s1  }
0x21a: {  	s0 =	simm.s32 @!p0 $0x2  }
0x21b: {  	_ =	swait.ge @!p0 [sflag:s0], s1  }
0x21c: {  	s1 =	ssub.s32 @!p0 $0x0, s1;
	[sflag:s0] =	ssyncset.done @!p0 $0x0  }
0x21d: {  	[sflag:s0] =	ssyncadd.s32 @!p0 s1  }
0x21e: {  	[bflag:$0x3] =	sbarrier.arrive $0xFFFF  }
0x21f: {  	_ =	shalt  }

</sc_bundles>
